<compile_context>
chip_gen: v7x
topology: tpu7x:2x2x1
jax: 0.10.2.dev20260603
libtpu: 0.0.44.dev20260713+nightly
codegen_flags: <defaults>
</compile_context>

<pallas_src>
import functools

import jax
import jax.numpy as jnp
from jax import lax
from jax.experimental import pallas as pl
from jax.experimental.pallas import tpu as pltpu
from jax.experimental.pallas import tpu_sc as plsc

VOCAB = 1000000
EMB = 64
NUM_HIDDEN = 64
B = 4096
L = 50

N = B * L
NC, NS, LANES = 2, 16, 16
NW = NC * NS
N_PER_W = N // NW
CHUNK = 100
NCHUNK = N_PER_W // CHUNK
NB = 4
NROUND = NCHUNK // NB


def _pos_encoding():
    words = jnp.arange(1, L + 1, dtype=jnp.float32)[:, None]
    pos = jnp.arange(EMB)
    exponents = (2 * (pos // 2)).astype(jnp.float32) / float(NUM_HIDDEN)
    angle = words / jnp.power(10000.0, exponents)[None, :]
    return jnp.where(pos[None, :] % 2 == 0, jnp.cos(angle), jnp.sin(angle))


def _make_sc_call():
    mesh = plsc.VectorSubcoreMesh(core_axis_name="c", subcore_axis_name="s")

    @functools.partial(
        pl.kernel,
        out_type=jax.ShapeDtypeStruct((NW * NCHUNK, CHUNK, EMB), jnp.float32),
        mesh=mesh,
        compiler_params=pltpu.CompilerParams(use_tc_tiling_on_sc=False),
        scratch_types=[
            pltpu.VMEM((NCHUNK, CHUNK), jnp.int32),
            pltpu.VMEM((CHUNK, EMB), jnp.float32),
            [pltpu.VMEM((CHUNK, EMB), jnp.float32) for _ in range(NB)],
            [pltpu.SemaphoreType.DMA for _ in range(NB)],
            [pltpu.SemaphoreType.DMA for _ in range(NB)],
        ],
    )
    def sc_embed(table_hbm, idx_hbm, pe_hbm, out_hbm,
                 idx_all, pe_v, rows, gsems, ssems):
        wid = lax.axis_index("s") * NC + lax.axis_index("c")
        obase = wid * NCHUNK
        pltpu.sync_copy(pe_hbm, pe_v)
        pltpu.sync_copy(idx_hbm.at[wid], idx_all)

        def wait_gather(b):
            pltpu.make_async_copy(
                table_hbm.at[idx_all.at[0]], rows[b], gsems[b]).wait()

        def wait_store(b):
            pltpu.make_async_copy(rows[b], out_hbm.at[obase], ssems[b]).wait()

        def add_pe(rows_v):
            def add_body(h, carry):
                for u in range(4):
                    r = h * 4 + u
                    for j in range(EMB // LANES):
                        s = pl.ds(j * LANES, LANES)
                        rows_v[r, s] = rows_v[r, s] + pe_v[r, s]
                return carry

            lax.fori_loop(0, CHUNK // 4, add_body, 0)

        for b in range(NB):
            pltpu.async_copy(table_hbm.at[idx_all.at[b]], rows[b], gsems[b])

        def round_body(q, carry):
            base = q * NB
            for b in range(NB):
                wait_gather(b)
                add_pe(rows[b])
                pltpu.async_copy(rows[b], out_hbm.at[obase + base + b], ssems[b])
            for b in range(NB):
                wait_store(b)
                nxt = jnp.minimum(base + NB + b, NCHUNK - 1)
                pltpu.async_copy(table_hbm.at[idx_all.at[nxt]], rows[b], gsems[b])
            return carry

        lax.fori_loop(0, NROUND, round_body, 0)
        for b in range(NB):
            wait_gather(b)

    return sc_embed


_sc_embed = _make_sc_call()


def kernel(x_batch, table):
    x_flat = x_batch.reshape(NW, NCHUNK, CHUNK).astype(jnp.int32)
    pe_tile = jnp.tile(_pos_encoding(), (CHUNK // L, 1)).astype(jnp.float32)
    out = _sc_embed(table, x_flat, pe_tile)
    return out.reshape(B, L, EMB)

# --- scband reference (transcript-rebuilt; emitter-appended) ---
"""Pipeline reference for scband-positional-embedding-86895778333351 (READ-ONLY COPY).

The authoritative reference and input builder live on the scoring server;
editing this copy changes nothing except your own understanding.
"""

import jax, jax.numpy as jnp
import numpy as np

VOCAB = 1000000
EMB = 64
NUM_HIDDEN = 64
B = 4096
L = 50


def positional_encoding(src_len, embedding_size, num_hidden):
    # words are 1..src_len (torch code uses word + 1)
    words = jnp.arange(1, src_len + 1, dtype=jnp.float32)[:, None]  # [L, 1]
    pos = jnp.arange(embedding_size)  # [E]
    exponents = (2 * (pos // 2)).astype(jnp.float32) / float(num_hidden)
    angle = words / jnp.power(10000.0, exponents)[None, :]  # [L, E]
    pe = jnp.where(pos[None, :] % 2 == 0, jnp.cos(angle), jnp.sin(angle))
    return pe


def setup_inputs(seed: int = 0) -> dict:
    key = jax.random.key(seed)
    k1, k2 = jax.random.split(key)
    x_batch = jax.random.randint(k1, (B, L), 0, VOCAB)
    # learned embedding table (torch.nn.Embedding default init ~ N(0,1))
    table = jax.random.normal(k2, (VOCAB, EMB), dtype=jnp.float32)
    return {"x_batch": x_batch, "table": table}


def reference(x_batch, table):
    x_embedding = jnp.take(table, x_batch, axis=0)  # [B, L, E] gather
    pos_embedding = positional_encoding(x_batch.shape[1], EMB, NUM_HIDDEN)  # [L, E]
    word = x_embedding + pos_embedding[None, :, :]
    return word

if __name__ == "__main__":
    import jax
    _d = setup_inputs()
    print(jax.jit(kernel)(*tuple(_d.values())))

</pallas_src>

<mosaic_0001>
#map = affine_map<(d0, d1) -> (0, 0)>
#map1 = affine_map<(d0, d1) -> (0, 0, 0)>
module attributes {stable_mosaic.version = 14 : i64} {
  func.func @sc_embed(%arg0: i32, %arg1: i32, %arg2: memref<1000000x64xf32, #tpu.memory_space<hbm>>, %arg3: memref<32x64x100xi32, #tpu.memory_space<hbm>>, %arg4: memref<100x64xf32, #tpu.memory_space<hbm>>, %arg5: memref<2048x100x64xf32, #tpu.memory_space<hbm>>, %arg6: memref<64x100xi32, #tpu.memory_space<vmem>>, %arg7: memref<100x64xf32, #tpu.memory_space<vmem>>, %arg8: memref<100x64xf32, #tpu.memory_space<vmem>>, %arg9: memref<100x64xf32, #tpu.memory_space<vmem>>, %arg10: memref<100x64xf32, #tpu.memory_space<vmem>>, %arg11: memref<100x64xf32, #tpu.memory_space<vmem>>, %arg12: memref<!tpu.dma_semaphore, #tpu.memory_space<semaphore_mem>>, %arg13: memref<!tpu.dma_semaphore, #tpu.memory_space<semaphore_mem>>, %arg14: memref<!tpu.dma_semaphore, #tpu.memory_space<semaphore_mem>>, %arg15: memref<!tpu.dma_semaphore, #tpu.memory_space<semaphore_mem>>, %arg16: memref<!tpu.dma_semaphore, #tpu.memory_space<semaphore_mem>>, %arg17: memref<!tpu.dma_semaphore, #tpu.memory_space<semaphore_mem>>, %arg18: memref<!tpu.dma_semaphore, #tpu.memory_space<semaphore_mem>>, %arg19: memref<!tpu.dma_semaphore, #tpu.memory_space<semaphore_mem>>) attributes {dimension_semantics = [#tpu.dimension_semantics<core_parallel>, #tpu.dimension_semantics<subcore_parallel>], iteration_bounds = array<i64: 2, 16>, scalar_prefetch = 0 : i64, scratch_operands = 14 : i64, tpu.core_type = #tpu.core_type<sc_vector_subcore>, window_params = [{transform_indices = #map}, {transform_indices = #map1}, {transform_indices = #map}, {transform_indices = #map1}]} {
    %mul3A = arith.constant 2 : i32
    %mul3A_0 = arith.muli %arg1, %mul3A : i32
    %add3A = arith.addi %mul3A_0, %arg0 : i32
    %mul3A_1 = arith.constant 64 : i32
    %mul3A_2 = arith.muli %add3A, %mul3A_1 : i32
    "tpu.region"() ({
      %run_scoped3A = tpu.sem_alloc : memref<!tpu.dma_semaphore, #tpu.memory_space<semaphore_mem>>
      tpu.enqueue_dma source(%arg4 : memref<100x64xf32, #tpu.memory_space<hbm>>) target(%arg7 : memref<100x64xf32, #tpu.memory_space<vmem>>) target_semaphore(%run_scoped3A : memref<!tpu.dma_semaphore, #tpu.memory_space<semaphore_mem>>)
      tpu.wait_dma2 semaphore(%run_scoped3A : memref<!tpu.dma_semaphore, #tpu.memory_space<semaphore_mem>>) src(%arg4 : memref<100x64xf32, #tpu.memory_space<hbm>>) dst(%arg7 : memref<100x64xf32, #tpu.memory_space<vmem>>)
      tpu.yield
    }) : () -> ()
    "tpu.region"() ({
      %run_scoped3A = tpu.sem_alloc : memref<!tpu.dma_semaphore, #tpu.memory_space<semaphore_mem>>
      %dma_start3A_62 = arith.constant 0 : i32
      %dma_start3A_63 = arith.constant 0 : i32
      %dma_start3A_64 = tpu.memref_slice %arg3[%add3A, %dma_start3A_62, %dma_start3A_63] : memref<32x64x100xi32, #tpu.memory_space<hbm>> -> memref<1x64x100xi32, #tpu.memory_space<hbm>>
      %dma_start3A_65 = tpu.memref_squeeze %dma_start3A_64 : memref<1x64x100xi32, #tpu.memory_space<hbm>> -> memref<64x100xi32, #tpu.memory_space<hbm>>
      %dma_start3A_66 = arith.constant 0 : i32
      %dma_start3A_67 = arith.constant 0 : i32
      %dma_start3A_68 = tpu.memref_slice %arg3[%add3A, %dma_start3A_66, %dma_start3A_67] : memref<32x64x100xi32, #tpu.memory_space<hbm>> -> memref<1x64x100xi32, #tpu.memory_space<hbm>>
      %dma_start3A_69 = tpu.memref_squeeze %dma_start3A_68 : memref<1x64x100xi32, #tpu.memory_space<hbm>> -> memref<64x100xi32, #tpu.memory_space<hbm>>
      tpu.enqueue_dma source(%dma_start3A_69 : memref<64x100xi32, #tpu.memory_space<hbm>>) target(%arg6 : memref<64x100xi32, #tpu.memory_space<vmem>>) target_semaphore(%run_scoped3A : memref<!tpu.dma_semaphore, #tpu.memory_space<semaphore_mem>>)
      %dma_wait3A_70 = arith.constant 0 : i32
      %dma_wait3A_71 = arith.constant 0 : i32
      %dma_wait3A_72 = tpu.memref_slice %arg3[%add3A, %dma_wait3A_70, %dma_wait3A_71] : memref<32x64x100xi32, #tpu.memory_space<hbm>> -> memref<1x64x100xi32, #tpu.memory_space<hbm>>
      %dma_wait3A_73 = tpu.memref_squeeze %dma_wait3A_72 : memref<1x64x100xi32, #tpu.memory_space<hbm>> -> memref<64x100xi32, #tpu.memory_space<hbm>>
      %dma_wait3A_74 = arith.constant 0 : i32
      %dma_wait3A_75 = arith.constant 0 : i32
      %dma_wait3A_76 = tpu.memref_slice %arg3[%add3A, %dma_wait3A_74, %dma_wait3A_75] : memref<32x64x100xi32, #tpu.memory_space<hbm>> -> memref<1x64x100xi32, #tpu.memory_space<hbm>>
      %dma_wait3A_77 = tpu.memref_squeeze %dma_wait3A_76 : memref<1x64x100xi32, #tpu.memory_space<hbm>> -> memref<64x100xi32, #tpu.memory_space<hbm>>
      tpu.wait_dma2 semaphore(%run_scoped3A : memref<!tpu.dma_semaphore, #tpu.memory_space<semaphore_mem>>) src(%dma_wait3A_77 : memref<64x100xi32, #tpu.memory_space<hbm>>) dst(%arg6 : memref<64x100xi32, #tpu.memory_space<vmem>>)
      tpu.yield
    }) : () -> ()
    %dma_start3A = arith.constant 0 : i32
    %dma_start3A_3 = arith.constant 0 : i32
    %dma_start3A_4 = tpu.memref_slice %arg6[%dma_start3A, %dma_start3A_3] : memref<64x100xi32, #tpu.memory_space<vmem>> -> memref<1x100xi32, #tpu.memory_space<vmem>>
    %dma_start3A_5 = tpu.memref_squeeze %dma_start3A_4 : memref<1x100xi32, #tpu.memory_space<vmem>> -> memref<100xi32, #tpu.memory_space<vmem>>
    %dma_start3A_6 = arith.constant 0 : i32
    %dma_start3A_7 = arith.constant 0 : i32
    %dma_start3A_8 = tpu.memref_slice %arg2[%dma_start3A_6, %dma_start3A_7] : memref<1000000x64xf32, #tpu.memory_space<hbm>> -> memref<1000000x64xf32, #tpu.memory_space<hbm>>
    tpu.enqueue_indirect_dma source(%dma_start3A_8 : memref<1000000x64xf32, #tpu.memory_space<hbm>>) target(%arg8 : memref<100x64xf32, #tpu.memory_space<vmem>>) offsets(%dma_start3A_5 : memref<100xi32, #tpu.memory_space<vmem>>) semaphore(%arg12 : memref<!tpu.dma_semaphore, #tpu.memory_space<semaphore_mem>>)
    %dma_start3A_9 = arith.constant 1 : i32
    %dma_start3A_10 = arith.constant 0 : i32
    %dma_start3A_11 = tpu.memref_slice %arg6[%dma_start3A_9, %dma_start3A_10] : memref<64x100xi32, #tpu.memory_space<vmem>> -> memref<1x100xi32, #tpu.memory_space<vmem>>
    %dma_start3A_12 = tpu.memref_squeeze %dma_start3A_11 : memref<1x100xi32, #tpu.memory_space<vmem>> -> memref<100xi32, #tpu.memory_space<vmem>>
    %dma_start3A_13 = arith.constant 0 : i32
    %dma_start3A_14 = arith.constant 0 : i32
    %dma_start3A_15 = tpu.memref_slice %arg2[%dma_start3A_13, %dma_start3A_14] : memref<1000000x64xf32, #tpu.memory_space<hbm>> -> memref<1000000x64xf32, #tpu.memory_space<hbm>>
    tpu.enqueue_indirect_dma source(%dma_start3A_15 : memref<1000000x64xf32, #tpu.memory_space<hbm>>) target(%arg9 : memref<100x64xf32, #tpu.memory_space<vmem>>) offsets(%dma_start3A_12 : memref<100xi32, #tpu.memory_space<vmem>>) semaphore(%arg13 : memref<!tpu.dma_semaphore, #tpu.memory_space<semaphore_mem>>)
    %dma_start3A_16 = arith.constant 2 : i32
    %dma_start3A_17 = arith.constant 0 : i32
    %dma_start3A_18 = tpu.memref_slice %arg6[%dma_start3A_16, %dma_start3A_17] : memref<64x100xi32, #tpu.memory_space<vmem>> -> memref<1x100xi32, #tpu.memory_space<vmem>>
    %dma_start3A_19 = tpu.memref_squeeze %dma_start3A_18 : memref<1x100xi32, #tpu.memory_space<vmem>> -> memref<100xi32, #tpu.memory_space<vmem>>
    %dma_start3A_20 = arith.constant 0 : i32
    %dma_start3A_21 = arith.constant 0 : i32
    %dma_start3A_22 = tpu.memref_slice %arg2[%dma_start3A_20, %dma_start3A_21] : memref<1000000x64xf32, #tpu.memory_space<hbm>> -> memref<1000000x64xf32, #tpu.memory_space<hbm>>
    tpu.enqueue_indirect_dma source(%dma_start3A_22 : memref<1000000x64xf32, #tpu.memory_space<hbm>>) target(%arg10 : memref<100x64xf32, #tpu.memory_space<vmem>>) offsets(%dma_start3A_19 : memref<100xi32, #tpu.memory_space<vmem>>) semaphore(%arg14 : memref<!tpu.dma_semaphore, #tpu.memory_space<semaphore_mem>>)
    %dma_start3A_23 = arith.constant 3 : i32
    %dma_start3A_24 = arith.constant 0 : i32
    %dma_start3A_25 = tpu.memref_slice %arg6[%dma_start3A_23, %dma_start3A_24] : memref<64x100xi32, #tpu.memory_space<vmem>> -> memref<1x100xi32, #tpu.memory_space<vmem>>
    %dma_start3A_26 = tpu.memref_squeeze %dma_start3A_25 : memref<1x100xi32, #tpu.memory_space<vmem>> -> memref<100xi32, #tpu.memory_space<vmem>>
    %dma_start3A_27 = arith.constant 0 : i32
    %dma_start3A_28 = arith.constant 0 : i32
    %dma_start3A_29 = tpu.memref_slice %arg2[%dma_start3A_27, %dma_start3A_28] : memref<1000000x64xf32, #tpu.memory_space<hbm>> -> memref<1000000x64xf32, #tpu.memory_space<hbm>>
    tpu.enqueue_indirect_dma source(%dma_start3A_29 : memref<1000000x64xf32, #tpu.memory_space<hbm>>) target(%arg11 : memref<100x64xf32, #tpu.memory_space<vmem>>) offsets(%dma_start3A_26 : memref<100xi32, #tpu.memory_space<vmem>>) semaphore(%arg15 : memref<!tpu.dma_semaphore, #tpu.memory_space<semaphore_mem>>)
    %scan3A = arith.constant 0 : i32
    %scan3A_30 = arith.constant 0 : i32
    %scan3A_31 = arith.constant 16 : i32
    %scan3A_32 = arith.addi %scan3A_30, %scan3A_31 : i32
    %scan3A_33 = arith.constant 1 : i32
    scf.for %scan3A_62 = %scan3A_30 to %scan3A_32 step %scan3A_33  : i32 {
      %mul3A_63 = arith.constant 4 : i32
      %mul3A_64 = arith.muli %scan3A_62, %mul3A_63 : i32
      %dma_wait3A_65 = arith.constant 0 : i32
      %dma_wait3A_66 = arith.constant 0 : i32
      %dma_wait3A_67 = tpu.memref_slice %arg6[%dma_wait3A_65, %dma_wait3A_66] : memref<64x100xi32, #tpu.memory_space<vmem>> -> memref<1x100xi32, #tpu.memory_space<vmem>>
      %dma_wait3A_68 = tpu.memref_squeeze %dma_wait3A_67 : memref<1x100xi32, #tpu.memory_space<vmem>> -> memref<100xi32, #tpu.memory_space<vmem>>
      %dma_wait3A_69 = arith.constant 0 : i32
      %dma_wait3A_70 = arith.constant 0 : i32
      %dma_wait3A_71 = tpu.memref_slice %arg2[%dma_wait3A_69, %dma_wait3A_70] : memref<1000000x64xf32, #tpu.memory_space<hbm>> -> memref<1000000x64xf32, #tpu.memory_space<hbm>>
      tpu.wait_indirect_dma semaphore(%arg12 : memref<!tpu.dma_semaphore, #tpu.memory_space<semaphore_mem>>) src(%dma_wait3A_71 : memref<1000000x64xf32, #tpu.memory_space<hbm>>) dst(%arg8 : memref<100x64xf32, #tpu.memory_space<vmem>>)
      %scan3A_72 = arith.constant 0 : i32
      %scan3A_73 = arith.constant 0 : i32
      %scan3A_74 = arith.constant 25 : i32
      %scan3A_75 = arith.addi %scan3A_73, %scan3A_74 : i32
      %scan3A_76 = arith.constant 1 : i32
      scf.for %scan3A_240 = %scan3A_73 to %scan3A_75 step %scan3A_76  : i32 {
        %mul3A_241 = arith.constant 4 : i32
        %mul3A_242 = arith.muli %scan3A_240, %mul3A_241 : i32
        %add3A_243 = arith.constant 0 : i32
        %add3A_244 = arith.addi %mul3A_242, %add3A_243 : i32
        %get3A = arith.index_cast %add3A_244 : i32 to index
        %get3A_245 = arith.constant 0 : index
        %get3A_246 = tpu.vector_load %arg8[%get3A, %get3A_245] {strides = array<i32>} : memref<100x64xf32, #tpu.memory_space<vmem>>, vector<1x16xf32>,
        %get3A_247 = vector.shape_cast %get3A_246 : vector<1x16xf32> to vector<16xf32>
        %get3A_248 = arith.index_cast %add3A_244 : i32 to index
        %get3A_249 = arith.constant 0 : index
        %get3A_250 = tpu.vector_load %arg7[%get3A_248, %get3A_249] {strides = array<i32>} : memref<100x64xf32, #tpu.memory_space<vmem>>, vector<1x16xf32>,
        %get3A_251 = vector.shape_cast %get3A_250 : vector<1x16xf32> to vector<16xf32>
        %add3A_252 = arith.addf %get3A_247, %get3A_251 : vector<16xf32>
        %swap3A = arith.index_cast %add3A_244 : i32 to index
        %swap3A_253 = arith.constant 0 : index
        %swap3A_254 = tpu.vector_load %arg8[%swap3A, %swap3A_253] {strides = array<i32>} : memref<100x64xf32, #tpu.memory_space<vmem>>, vector<1x16xf32>,
        %swap3A_255 = vector.shape_cast %swap3A_254 : vector<1x16xf32> to vector<16xf32>
        %swap3A_256 = vector.shape_cast %add3A_252 : vector<16xf32> to vector<1x16xf32>
        tpu.vector_store %arg8[%swap3A, %swap3A_253], %swap3A_256 {strides = array<i32>} : memref<100x64xf32, #tpu.memory_space<vmem>>, vector<1x16xf32>,
        %get3A_257 = arith.index_cast %add3A_244 : i32 to index
        %get3A_258 = arith.constant 16 : index
        %get3A_259 = tpu.vector_load %arg8[%get3A_257, %get3A_258] {strides = array<i32>} : memref<100x64xf32, #tpu.memory_space<vmem>>, vector<1x16xf32>,
        %get3A_260 = vector.shape_cast %get3A_259 : vector<1x16xf32> to vector<16xf32>
        %get3A_261 = arith.index_cast %add3A_244 : i32 to index
        %get3A_262 = arith.constant 16 : index
        %get3A_263 = tpu.vector_load %arg7[%get3A_261, %get3A_262] {strides = array<i32>} : memref<100x64xf32, #tpu.memory_space<vmem>>, vector<1x16xf32>,
        %get3A_264 = vector.shape_cast %get3A_263 : vector<1x16xf32> to vector<16xf32>
        %add3A_265 = arith.addf %get3A_260, %get3A_264 : vector<16xf32>
        %swap3A_266 = arith.index_cast %add3A_244 : i32 to index
        %swap3A_267 = arith.constant 16 : index
        %swap3A_268 = tpu.vector_load %arg8[%swap3A_266, %swap3A_267] {strides = array<i32>} : memref<100x64xf32, #tpu.memory_space<vmem>>, vector<1x16xf32>,
        %swap3A_269 = vector.shape_cast %swap3A_268 : vector<1x16xf32> to vector<16xf32>
        %swap3A_270 = vector.shape_cast %add3A_265 : vector<16xf32> to vector<1x16xf32>
        tpu.vector_store %arg8[%swap3A_266, %swap3A_267], %swap3A_270 {strides = array<i32>} : memref<100x64xf32, #tpu.memory_space<vmem>>, vector<1x16xf32>,
        %get3A_271 = arith.index_cast %add3A_244 : i32 to index
        %get3A_272 = arith.constant 32 : index
        %get3A_273 = tpu.vector_load %arg8[%get3A_271, %get3A_272] {strides = array<i32>} : memref<100x64xf32, #tpu.memory_space<vmem>>, vector<1x16xf32>,
        %get3A_274 = vector.shape_cast %get3A_273 : vector<1x16xf32> to vector<16xf32>
        %get3A_275 = arith.index_cast %add3A_244 : i32 to index
        %get3A_276 = arith.constant 32 : index
        %get3A_277 = tpu.vector_load %arg7[%get3A_275, %get3A_276] {strides = array<i32>} : memref<100x64xf32, #tpu.memory_space<vmem>>, vector<1x16xf32>,
        %get3A_278 = vector.shape_cast %get3A_277 : vector<1x16xf32> to vector<16xf32>
        %add3A_279 = arith.addf %get3A_274, %get3A_278 : vector<16xf32>
        %swap3A_280 = arith.index_cast %add3A_244 : i32 to index
        %swap3A_281 = arith.constant 32 : index
        %swap3A_282 = tpu.vector_load %arg8[%swap3A_280, %swap3A_281] {strides = array<i32>} : memref<100x64xf32, #tpu.memory_space<vmem>>, vector<1x16xf32>,
        %swap3A_283 = vector.shape_cast %swap3A_282 : vector<1x16xf32> to vector<16xf32>
        %swap3A_284 = vector.shape_cast %add3A_279 : vector<16xf32> to vector<1x16xf32>
        tpu.vector_store %arg8[%swap3A_280, %swap3A_281], %swap3A_284 {strides = array<i32>} : memref<100x64xf32, #tpu.memory_space<vmem>>, vector<1x16xf32>,
        %get3A_285 = arith.index_cast %add3A_244 : i32 to index
        %get3A_286 = arith.constant 48 : index
        %get3A_287 = tpu.vector_load %arg8[%get3A_285, %get3A_286] {strides = array<i32>} : memref<100x64xf32, #tpu.memory_space<vmem>>, vector<1x16xf32>,
        %get3A_288 = vector.shape_cast %get3A_287 : vector<1x16xf32> to vector<16xf32>
        %get3A_289 = arith.index_cast %add3A_244 : i32 to index
        %get3A_290 = arith.constant 48 : index
        %get3A_291 = tpu.vector_load %arg7[%get3A_289, %get3A_290] {strides = array<i32>} : memref<100x64xf32, #tpu.memory_space<vmem>>, vector<1x16xf32>,
        %get3A_292 = vector.shape_cast %get3A_291 : vector<1x16xf32> to vector<16xf32>
        %add3A_293 = arith.addf %get3A_288, %get3A_292 : vector<16xf32>
        %swap3A_294 = arith.index_cast %add3A_244 : i32 to index
        %swap3A_295 = arith.constant 48 : index
        %swap3A_296 = tpu.vector_load %arg8[%swap3A_294, %swap3A_295] {strides = array<i32>} : memref<100x64xf32, #tpu.memory_space<vmem>>, vector<1x16xf32>,
        %swap3A_297 = vector.shape_cast %swap3A_296 : vector<1x16xf32> to vector<16xf32>
        %swap3A_298 = vector.shape_cast %add3A_293 : vector<16xf32> to vector<1x16xf32>
        tpu.vector_store %arg8[%swap3A_294, %swap3A_295], %swap3A_298 {strides = array<i32>} : memref<100x64xf32, #tpu.memory_space<vmem>>, vector<1x16xf32>,
        %mul3A_299 = arith.constant 4 : i32
        %mul3A_300 = arith.muli %scan3A_240, %mul3A_299 : i32
        %add3A_301 = arith.constant 1 : i32
        %add3A_302 = arith.addi %mul3A_300, %add3A_301 : i32
        %get3A_303 = arith.index_cast %add3A_302 : i32 to index
        %get3A_304 = arith.constant 0 : index
        %get3A_305 = tpu.vector_load %arg8[%get3A_303, %get3A_304] {strides = array<i32>} : memref<100x64xf32, #tpu.memory_space<vmem>>, vector<1x16xf32>,
        %get3A_306 = vector.shape_cast %get3A_305 : vector<1x16xf32> to vector<16xf32>
        %get3A_307 = arith.index_cast %add3A_302 : i32 to index
        %get3A_308 = arith.constant 0 : index
        %get3A_309 = tpu.vector_load %arg7[%get3A_307, %get3A_308] {strides = array<i32>} : memref<100x64xf32, #tpu.memory_space<vmem>>, vector<1x16xf32>,
        %get3A_310 = vector.shape_cast %get3A_309 : vector<1x16xf32> to vector<16xf32>
        %add3A_311 = arith.addf %get3A_306, %get3A_310 : vector<16xf32>
        %swap3A_312 = arith.index_cast %add3A_302 : i32 to index
        %swap3A_313 = arith.constant 0 : index
        %swap3A_314 = tpu.vector_load %arg8[%swap3A_312, %swap3A_313] {strides = array<i32>} : memref<100x64xf32, #tpu.memory_space<vmem>>, vector<1x16xf32>,
        %swap3A_315 = vector.shape_cast %swap3A_314 : vector<1x16xf32> to vector<16xf32>
        %swap3A_316 = vector.shape_cast %add3A_311 : vector<16xf32> to vector<1x16xf32>
        tpu.vector_store %arg8[%swap3A_312, %swap3A_313], %swap3A_316 {strides = array<i32>} : memref<100x64xf32, #tpu.memory_space<vmem>>, vector<1x16xf32>,
        %get3A_317 = arith.index_cast %add3A_302 : i32 to index
        %get3A_318 = arith.constant 16 : index
        %get3A_319 = tpu.vector_load %arg8[%get3A_317, %get3A_318] {strides = array<i32>} : memref<100x64xf32, #tpu.memory_space<vmem>>, vector<1x16xf32>,
        %get3A_320 = vector.shape_cast %get3A_319 : vector<1x16xf32> to vector<16xf32>
        %get3A_321 = arith.index_cast %add3A_302 : i32 to index
        %get3A_322 = arith.constant 16 : index
        %get3A_323 = tpu.vector_load %arg7[%get3A_321, %get3A_322] {strides = array<i32>} : memref<100x64xf32, #tpu.memory_space<vmem>>, vector<1x16xf32>,
        %get3A_324 = vector.shape_cast %get3A_323 : vector<1x16xf32> to vector<16xf32>
        %add3A_325 = arith.addf %get3A_320, %get3A_324 : vector<16xf32>
        %swap3A_326 = arith.index_cast %add3A_302 : i32 to index
        %swap3A_327 = arith.constant 16 : index
        %swap3A_328 = tpu.vector_load %arg8[%swap3A_326, %swap3A_327] {strides = array<i32>} : memref<100x64xf32, #tpu.memory_space<vmem>>, vector<1x16xf32>,
        %swap3A_329 = vector.shape_cast %swap3A_328 : vector<1x16xf32> to vector<16xf32>
        %swap3A_330 = vector.shape_cast %add3A_325 : vector<16xf32> to vector<1x16xf32>
        tpu.vector_store %arg8[%swap3A_326, %swap3A_327], %swap3A_330 {strides = array<i32>} : memref<100x64xf32, #tpu.memory_space<vmem>>, vector<1x16xf32>,
        %get3A_331 = arith.index_cast %add3A_302 : i32 to index
        %get3A_332 = arith.constant 32 : index
        %get3A_333 = tpu.vector_load %arg8[%get3A_331, %get3A_332] {strides = array<i32>} : memref<100x64xf32, #tpu.memory_space<vmem>>, vector<1x16xf32>,
        %get3A_334 = vector.shape_cast %get3A_333 : vector<1x16xf32> to vector<16xf32>
        %get3A_335 = arith.index_cast %add3A_302 : i32 to index
        %get3A_336 = arith.constant 32 : index
        %get3A_337 = tpu.vector_load %arg7[%get3A_335, %get3A_336] {strides = array<i32>} : memref<100x64xf32, #tpu.memory_space<vmem>>, vector<1x16xf32>,
        %get3A_338 = vector.shape_cast %get3A_337 : vector<1x16xf32> to vector<16xf32>
        %add3A_339 = arith.addf %get3A_334, %get3A_338 : vector<16xf32>
        %swap3A_340 = arith.index_cast %add3A_302 : i32 to index
        %swap3A_341 = arith.constant 32 : index
        %swap3A_342 = tpu.vector_load %arg8[%swap3A_340, %swap3A_341] {strides = array<i32>} : memref<100x64xf32, #tpu.memory_space<vmem>>, vector<1x16xf32>,
        %swap3A_343 = vector.shape_cast %swap3A_342 : vector<1x16xf32> to vector<16xf32>
        %swap3A_344 = vector.shape_cast %add3A_339 : vector<16xf32> to vector<1x16xf32>
        tpu.vector_store %arg8[%swap3A_340, %swap3A_341], %swap3A_344 {strides = array<i32>} : memref<100x64xf32, #tpu.memory_space<vmem>>, vector<1x16xf32>,
        %get3A_345 = arith.index_cast %add3A_302 : i32 to index
        %get3A_346 = arith.constant 48 : index
        %get3A_347 = tpu.vector_load %arg8[%get3A_345, %get3A_346] {strides = array<i32>} : memref<100x64xf32, #tpu.memory_space<vmem>>, vector<1x16xf32>,
        %get3A_348 = vector.shape_cast %get3A_347 : vector<1x16xf32> to vector<16xf32>
        %get3A_349 = arith.index_cast %add3A_302 : i32 to index
        %get3A_350 = arith.constant 48 : index
        %get3A_351 = tpu.vector_load %arg7[%get3A_349, %get3A_350] {strides = array<i32>} : memref<100x64xf32, #tpu.memory_space<vmem>>, vector<1x16xf32>,
        %get3A_352 = vector.shape_cast %get3A_351 : vector<1x16xf32> to vector<16xf32>
        %add3A_353 = arith.addf %get3A_348, %get3A_352 : vector<16xf32>
        %swap3A_354 = arith.index_cast %add3A_302 : i32 to index
        %swap3A_355 = arith.constant 48 : index
        %swap3A_356 = tpu.vector_load %arg8[%swap3A_354, %swap3A_355] {strides = array<i32>} : memref<100x64xf32, #tpu.memory_space<vmem>>, vector<1x16xf32>,
        %swap3A_357 = vector.shape_cast %swap3A_356 : vector<1x16xf32> to vector<16xf32>
        %swap3A_358 = vector.shape_cast %add3A_353 : vector<16xf32> to vector<1x16xf32>
        tpu.vector_store %arg8[%swap3A_354, %swap3A_355], %swap3A_358 {strides = array<i32>} : memref<100x64xf32, #tpu.memory_space<vmem>>, vector<1x16xf32>,
        %mul3A_359 = arith.constant 4 : i32
        %mul3A_360 = arith.muli %scan3A_240, %mul3A_359 : i32
        %add3A_361 = arith.constant 2 : i32
        %add3A_362 = arith.addi %mul3A_360, %add3A_361 : i32
        %get3A_363 = arith.index_cast %add3A_362 : i32 to index
        %get3A_364 = arith.constant 0 : index
        %get3A_365 = tpu.vector_load %arg8[%get3A_363, %get3A_364] {strides = array<i32>} : memref<100x64xf32, #tpu.memory_space<vmem>>, vector<1x16xf32>,
        %get3A_366 = vector.shape_cast %get3A_365 : vector<1x16xf32> to vector<16xf32>
        %get3A_367 = arith.index_cast %add3A_362 : i32 to index
        %get3A_368 = arith.constant 0 : index
        %get3A_369 = tpu.vector_load %arg7[%get3A_367, %get3A_368] {strides = array<i32>} : memref<100x64xf32, #tpu.memory_space<vmem>>, vector<1x16xf32>,
        %get3A_370 = vector.shape_cast %get3A_369 : vector<1x16xf32> to vector<16xf32>
        %add3A_371 = arith.addf %get3A_366, %get3A_370 : vector<16xf32>
        %swap3A_372 = arith.index_cast %add3A_362 : i32 to index
        %swap3A_373 = arith.constant 0 : index
        %swap3A_374 = tpu.vector_load %arg8[%swap3A_372, %swap3A_373] {strides = array<i32>} : memref<100x64xf32, #tpu.memory_space<vmem>>, vector<1x16xf32>,
        %swap3A_375 = vector.shape_cast %swap3A_374 : vector<1x16xf32> to vector<16xf32>
        %swap3A_376 = vector.shape_cast %add3A_371 : vector<16xf32> to vector<1x16xf32>
        tpu.vector_store %arg8[%swap3A_372, %swap3A_373], %swap3A_376 {strides = array<i32>} : memref<100x64xf32, #tpu.memory_space<vmem>>, vector<1x16xf32>,
        %get3A_377 = arith.index_cast %add3A_362 : i32 to index
        %get3A_378 = arith.constant 16 : index
        %get3A_379 = tpu.vector_load %arg8[%get3A_377, %get3A_378] {strides = array<i32>} : memref<100x64xf32, #tpu.memory_space<vmem>>, vector<1x16xf32>,
        %get3A_380 = vector.shape_cast %get3A_379 : vector<1x16xf32> to vector<16xf32>
        %get3A_381 = arith.index_cast %add3A_362 : i32 to index
        %get3A_382 = arith.constant 16 : index
        %get3A_383 = tpu.vector_load %arg7[%get3A_381, %get3A_382] {strides = array<i32>} : memref<100x64xf32, #tpu.memory_space<vmem>>, vector<1x16xf32>,
        %get3A_384 = vector.shape_cast %get3A_383 : vector<1x16xf32> to vector<16xf32>
        %add3A_385 = arith.addf %get3A_380, %get3A_384 : vector<16xf32>
        %swap3A_386 = arith.index_cast %add3A_362 : i32 to index
        %swap3A_387 = arith.constant 16 : index
        %swap3A_388 = tpu.vector_load %arg8[%swap3A_386, %swap3A_387] {strides = array<i32>} : memref<100x64xf32, #tpu.memory_space<vmem>>, vector<1x16xf32>,
        %swap3A_389 = vector.shape_cast %swap3A_388 : vector<1x16xf32> to vector<16xf32>
        %swap3A_390 = vector.shape_cast %add3A_385 : vector<16xf32> to vector<1x16xf32>
        tpu.vector_store %arg8[%swap3A_386, %swap3A_387], %swap3A_390 {strides = array<i32>} : memref<100x64xf32, #tpu.memory_space<vmem>>, vector<1x16xf32>,
        %get3A_391 = arith.index_cast %add3A_362 : i32 to index
        %get3A_392 = arith.constant 32 : index
        %get3A_393 = tpu.vector_load %arg8[%get3A_391, %get3A_392] {strides = array<i32>} : memref<100x64xf32, #tpu.memory_space<vmem>>, vector<1x16xf32>,
        %get3A_394 = vector.shape_cast %get3A_393 : vector<1x16xf32> to vector<16xf32>
        %get3A_395 = arith.index_cast %add3A_362 : i32 to index
        %get3A_396 = arith.constant 32 : index
        %get3A_397 = tpu.vector_load %arg7[%get3A_395, %get3A_396] {strides = array<i32>} : memref<100x64xf32, #tpu.memory_space<vmem>>, vector<1x16xf32>,
        %get3A_398 = vector.shape_cast %get3A_397 : vector<1x16xf32> to vector<16xf32>
        %add3A_399 = arith.addf %get3A_394, %get3A_398 : vector<16xf32>
        %swap3A_400 = arith.index_cast %add3A_362 : i32 to index
        %swap3A_401 = arith.constant 32 : index
        %swap3A_402 = tpu.vector_load %arg8[%swap3A_400, %swap3A_401] {strides = array<i32>} : memref<100x64xf32, #tpu.memory_space<vmem>>, vector<1x16xf32>,
        %swap3A_403 = vector.shape_cast %swap3A_402 : vector<1x16xf32> to vector<16xf32>
        %swap3A_404 = vector.shape_cast %add3A_399 : vector<16xf32> to vector<1x16xf32>
        tpu.vector_store %arg8[%swap3A_400, %swap3A_401], %swap3A_404 {strides = array<i32>} : memref<100x64xf32, #tpu.memory_space<vmem>>, vector<1x16xf32>,
        %get3A_405 = arith.index_cast %add3A_362 : i32 to index
        %get3A_406 = arith.constant 48 : index
        %get3A_407 = tpu.vector_load %arg8[%get3A_405, %get3A_406] {strides = array<i32>} : memref<100x64xf32, #tpu.memory_space<vmem>>, vector<1x16xf32>,
        %get3A_408 = vector.shape_cast %get3A_407 : vector<1x16xf32> to vector<16xf32>
        %get3A_409 = arith.index_cast %add3A_362 : i32 to index
        %get3A_410 = arith.constant 48 : index
        %get3A_411 = tpu.vector_load %arg7[%get3A_409, %get3A_410] {strides = array<i32>} : memref<100x64xf32, #tpu.memory_space<vmem>>, vector<1x16xf32>,
        %get3A_412 = vector.shape_cast %get3A_411 : vector<1x16xf32> to vector<16xf32>
        %add3A_413 = arith.addf %get3A_408, %get3A_412 : vector<16xf32>
        %swap3A_414 = arith.index_cast %add3A_362 : i32 to index
        %swap3A_415 = arith.constant 48 : index
        %swap3A_416 = tpu.vector_load %arg8[%swap3A_414, %swap3A_415] {strides = array<i32>} : memref<100x64xf32, #tpu.memory_space<vmem>>, vector<1x16xf32>,
        %swap3A_417 = vector.shape_cast %swap3A_416 : vector<1x16xf32> to vector<16xf32>
        %swap3A_418 = vector.shape_cast %add3A_413 : vector<16xf32> to vector<1x16xf32>
        tpu.vector_store %arg8[%swap3A_414, %swap3A_415], %swap3A_418 {strides = array<i32>} : memref<100x64xf32, #tpu.memory_space<vmem>>, vector<1x16xf32>,
        %mul3A_419 = arith.constant 4 : i32
        %mul3A_420 = arith.muli %scan3A_240, %mul3A_419 : i32
        %add3A_421 = arith.constant 3 : i32
        %add3A_422 = arith.addi %mul3A_420, %add3A_421 : i32
        %get3A_423 = arith.index_cast %add3A_422 : i32 to index
        %get3A_424 = arith.constant 0 : index
        %get3A_425 = tpu.vector_load %arg8[%get3A_423, %get3A_424] {strides = array<i32>} : memref<100x64xf32, #tpu.memory_space<vmem>>, vector<1x16xf32>,
        %get3A_426 = vector.shape_cast %get3A_425 : vector<1x16xf32> to vector<16xf32>
        %get3A_427 = arith.index_cast %add3A_422 : i32 to index
        %get3A_428 = arith.constant 0 : index
        %get3A_429 = tpu.vector_load %arg7[%get3A_427, %get3A_428] {strides = array<i32>} : memref<100x64xf32, #tpu.memory_space<vmem>>, vector<1x16xf32>,
        %get3A_430 = vector.shape_cast %get3A_429 : vector<1x16xf32> to vector<16xf32>
        %add3A_431 = arith.addf %get3A_426, %get3A_430 : vector<16xf32>
        %swap3A_432 = arith.index_cast %add3A_422 : i32 to index
        %swap3A_433 = arith.constant 0 : index
        %swap3A_434 = tpu.vector_load %arg8[%swap3A_432, %swap3A_433] {strides = array<i32>} : memref<100x64xf32, #tpu.memory_space<vmem>>, vector<1x16xf32>,
        %swap3A_435 = vector.shape_cast %swap3A_434 : vector<1x16xf32> to vector<16xf32>
        %swap3A_436 = vector.shape_cast %add3A_431 : vector<16xf32> to vector<1x16xf32>
        tpu.vector_store %arg8[%swap3A_432, %swap3A_433], %swap3A_436 {strides = array<i32>} : memref<100x64xf32, #tpu.memory_space<vmem>>, vector<1x16xf32>,
        %get3A_437 = arith.index_cast %add3A_422 : i32 to index
        %get3A_438 = arith.constant 16 : index
        %get3A_439 = tpu.vector_load %arg8[%get3A_437, %get3A_438] {strides = array<i32>} : memref<100x64xf32, #tpu.memory_space<vmem>>, vector<1x16xf32>,
        %get3A_440 = vector.shape_cast %get3A_439 : vector<1x16xf32> to vector<16xf32>
        %get3A_441 = arith.index_cast %add3A_422 : i32 to index
        %get3A_442 = arith.constant 16 : index
        %get3A_443 = tpu.vector_load %arg7[%get3A_441, %get3A_442] {strides = array<i32>} : memref<100x64xf32, #tpu.memory_space<vmem>>, vector<1x16xf32>,
        %get3A_444 = vector.shape_cast %get3A_443 : vector<1x16xf32> to vector<16xf32>
        %add3A_445 = arith.addf %get3A_440, %get3A_444 : vector<16xf32>
        %swap3A_446 = arith.index_cast %add3A_422 : i32 to index
        %swap3A_447 = arith.constant 16 : index
        %swap3A_448 = tpu.vector_load %arg8[%swap3A_446, %swap3A_447] {strides = array<i32>} : memref<100x64xf32, #tpu.memory_space<vmem>>, vector<1x16xf32>,
        %swap3A_449 = vector.shape_cast %swap3A_448 : vector<1x16xf32> to vector<16xf32>
        %swap3A_450 = vector.shape_cast %add3A_445 : vector<16xf32> to vector<1x16xf32>
        tpu.vector_store %arg8[%swap3A_446, %swap3A_447], %swap3A_450 {strides = array<i32>} : memref<100x64xf32, #tpu.memory_space<vmem>>, vector<1x16xf32>,
        %get3A_451 = arith.index_cast %add3A_422 : i32 to index
        %get3A_452 = arith.constant 32 : index
        %get3A_453 = tpu.vector_load %arg8[%get3A_451, %get3A_452] {strides = array<i32>} : memref<100x64xf32, #tpu.memory_space<vmem>>, vector<1x16xf32>,
        %get3A_454 = vector.shape_cast %get3A_453 : vector<1x16xf32> to vector<16xf32>
        %get3A_455 = arith.index_cast %add3A_422 : i32 to index
        %get3A_456 = arith.constant 32 : index
        %get3A_457 = tpu.vector_load %arg7[%get3A_455, %get3A_456] {strides = array<i32>} : memref<100x64xf32, #tpu.memory_space<vmem>>, vector<1x16xf32>,
        %get3A_458 = vector.shape_cast %get3A_457 : vector<1x16xf32> to vector<16xf32>
        %add3A_459 = arith.addf %get3A_454, %get3A_458 : vector<16xf32>
        %swap3A_460 = arith.index_cast %add3A_422 : i32 to index
        %swap3A_461 = arith.constant 32 : index
        %swap3A_462 = tpu.vector_load %arg8[%swap3A_460, %swap3A_461] {strides = array<i32>} : memref<100x64xf32, #tpu.memory_space<vmem>>, vector<1x16xf32>,
        %swap3A_463 = vector.shape_cast %swap3A_462 : vector<1x16xf32> to vector<16xf32>
        %swap3A_464 = vector.shape_cast %add3A_459 : vector<16xf32> to vector<1x16xf32>
        tpu.vector_store %arg8[%swap3A_460, %swap3A_461], %swap3A_464 {strides = array<i32>} : memref<100x64xf32, #tpu.memory_space<vmem>>, vector<1x16xf32>,
        %get3A_465 = arith.index_cast %add3A_422 : i32 to index
        %get3A_466 = arith.constant 48 : index
        %get3A_467 = tpu.vector_load %arg8[%get3A_465, %get3A_466] {strides = array<i32>} : memref<100x64xf32, #tpu.memory_space<vmem>>, vector<1x16xf32>,
        %get3A_468 = vector.shape_cast %get3A_467 : vector<1x16xf32> to vector<16xf32>
        %get3A_469 = arith.index_cast %add3A_422 : i32 to index
        %get3A_470 = arith.constant 48 : index
        %get3A_471 = tpu.vector_load %arg7[%get3A_469, %get3A_470] {strides = array<i32>} : memref<100x64xf32, #tpu.memory_space<vmem>>, vector<1x16xf32>,
        %get3A_472 = vector.shape_cast %get3A_471 : vector<1x16xf32> to vector<16xf32>
        %add3A_473 = arith.addf %get3A_468, %get3A_472 : vector<16xf32>
        %swap3A_474 = arith.index_cast %add3A_422 : i32 to index
        %swap3A_475 = arith.constant 48 : index
        %swap3A_476 = tpu.vector_load %arg8[%swap3A_474, %swap3A_475] {strides = array<i32>} : memref<100x64xf32, #tpu.memory_space<vmem>>, vector<1x16xf32>,
        %swap3A_477 = vector.shape_cast %swap3A_476 : vector<1x16xf32> to vector<16xf32>
        %swap3A_478 = vector.shape_cast %add3A_473 : vector<16xf32> to vector<1x16xf32>
        tpu.vector_store %arg8[%swap3A_474, %swap3A_475], %swap3A_478 {strides = array<i32>} : memref<100x64xf32, #tpu.memory_space<vmem>>, vector<1x16xf32>,
      }
      %scan3A_77 = arith.constant 25 : i32
      %add3A_78 = arith.addi %mul3A_2, %mul3A_64 : i32
      %add3A_79 = arith.constant 0 : i32
      %add3A_80 = arith.addi %add3A_78, %add3A_79 : i32
      %dma_start3A_81 = arith.constant 0 : i32
      %dma_start3A_82 = arith.constant 0 : i32
      %dma_start3A_83 = tpu.memref_slice %arg5[%add3A_80, %dma_start3A_81, %dma_start3A_82] : memref<2048x100x64xf32, #tpu.memory_space<hbm>> -> memref<1x100x64xf32, #tpu.memory_space<hbm>>
      %dma_start3A_84 = tpu.memref_squeeze %dma_start3A_83 : memref<1x100x64xf32, #tpu.memory_space<hbm>> -> memref<100x64xf32, #tpu.memory_space<hbm>>
      %dma_start3A_85 = arith.constant 0 : i32
      %dma_start3A_86 = arith.constant 0 : i32
      %dma_start3A_87 = tpu.memref_slice %arg5[%add3A_80, %dma_start3A_85, %dma_start3A_86] : memref<2048x100x64xf32, #tpu.memory_space<hbm>> -> memref<1x100x64xf32, #tpu.memory_space<hbm>>
      %dma_start3A_88 = tpu.memref_squeeze %dma_start3A_87 : memref<1x100x64xf32, #tpu.memory_space<hbm>> -> memref<100x64xf32, #tpu.memory_space<hbm>>
      tpu.enqueue_dma source(%arg8 : memref<100x64xf32, #tpu.memory_space<vmem>>) target(%dma_start3A_88 : memref<100x64xf32, #tpu.memory_space<hbm>>) target_semaphore(%arg16 : memref<!tpu.dma_semaphore, #tpu.memory_space<semaphore_mem>>)
      %dma_wait3A_89 = arith.constant 0 : i32
      %dma_wait3A_90 = arith.constant 0 : i32
      %dma_wait3A_91 = tpu.memref_slice %arg6[%dma_wait3A_89, %dma_wait3A_90] : memref<64x100xi32, #tpu.memory_space<vmem>> -> memref<1x100xi32, #tpu.memory_space<vmem>>
      %dma_wait3A_92 = tpu.memref_squeeze %dma_wait3A_91 : memref<1x100xi32, #tpu.memory_space<vmem>> -> memref<100xi32, #tpu.memory_space<vmem>>
      %dma_wait3A_93 = arith.constant 0 : i32
      %dma_wait3A_94 = arith.constant 0 : i32
      %dma_wait3A_95 = tpu.memref_slice %arg2[%dma_wait3A_93, %dma_wait3A_94] : memref<1000000x64xf32, #tpu.memory_space<hbm>> -> memref<1000000x64xf32, #tpu.memory_space<hbm>>
      tpu.wait_indirect_dma semaphore(%arg13 : memref<!tpu.dma_semaphore, #tpu.memory_space<semaphore_mem>>) src(%dma_wait3A_95 : memref<1000000x64xf32, #tpu.memory_space<hbm>>) dst(%arg9 : memref<100x64xf32, #tpu.memory_space<vmem>>)
      %scan3A_96 = arith.constant 0 : i32
      %scan3A_97 = arith.constant 0 : i32
      %scan3A_98 = arith.constant 25 : i32
      %scan3A_99 = arith.addi %scan3A_97, %scan3A_98 : i32
      %scan3A_100 = arith.constant 1 : i32
      scf.for %scan3A_240 = %scan3A_97 to %scan3A_99 step %scan3A_100  : i32 {
        %mul3A_241 = arith.constant 4 : i32
        %mul3A_242 = arith.muli %scan3A_240, %mul3A_241 : i32
        %add3A_243 = arith.constant 0 : i32
        %add3A_244 = arith.addi %mul3A_242, %add3A_243 : i32
        %get3A = arith.index_cast %add3A_244 : i32 to index
        %get3A_245 = arith.constant 0 : index
        %get3A_246 = tpu.vector_load %arg9[%get3A, %get3A_245] {strides = array<i32>} : memref<100x64xf32, #tpu.memory_space<vmem>>, vector<1x16xf32>,
        %get3A_247 = vector.shape_cast %get3A_246 : vector<1x16xf32> to vector<16xf32>
        %get3A_248 = arith.index_cast %add3A_244 : i32 to index
        %get3A_249 = arith.constant 0 : index
        %get3A_250 = tpu.vector_load %arg7[%get3A_248, %get3A_249] {strides = array<i32>} : memref<100x64xf32, #tpu.memory_space<vmem>>, vector<1x16xf32>,
        %get3A_251 = vector.shape_cast %get3A_250 : vector<1x16xf32> to vector<16xf32>
        %add3A_252 = arith.addf %get3A_247, %get3A_251 : vector<16xf32>
        %swap3A = arith.index_cast %add3A_244 : i32 to index
        %swap3A_253 = arith.constant 0 : index
        %swap3A_254 = tpu.vector_load %arg9[%swap3A, %swap3A_253] {strides = array<i32>} : memref<100x64xf32, #tpu.memory_space<vmem>>, vector<1x16xf32>,
        %swap3A_255 = vector.shape_cast %swap3A_254 : vector<1x16xf32> to vector<16xf32>
        %swap3A_256 = vector.shape_cast %add3A_252 : vector<16xf32> to vector<1x16xf32>
        tpu.vector_store %arg9[%swap3A, %swap3A_253], %swap3A_256 {strides = array<i32>} : memref<100x64xf32, #tpu.memory_space<vmem>>, vector<1x16xf32>,
        %get3A_257 = arith.index_cast %add3A_244 : i32 to index
        %get3A_258 = arith.constant 16 : index
        %get3A_259 = tpu.vector_load %arg9[%get3A_257, %get3A_258] {strides = array<i32>} : memref<100x64xf32, #tpu.memory_space<vmem>>, vector<1x16xf32>,
        %get3A_260 = vector.shape_cast %get3A_259 : vector<1x16xf32> to vector<16xf32>
        %get3A_261 = arith.index_cast %add3A_244 : i32 to index
        %get3A_262 = arith.constant 16 : index
        %get3A_263 = tpu.vector_load %arg7[%get3A_261, %get3A_262] {strides = array<i32>} : memref<100x64xf32, #tpu.memory_space<vmem>>, vector<1x16xf32>,
        %get3A_264 = vector.shape_cast %get3A_263 : vector<1x16xf32> to vector<16xf32>
        %add3A_265 = arith.addf %get3A_260, %get3A_264 : vector<16xf32>
        %swap3A_266 = arith.index_cast %add3A_244 : i32 to index
        %swap3A_267 = arith.constant 16 : index
        %swap3A_268 = tpu.vector_load %arg9[%swap3A_266, %swap3A_267] {strides = array<i32>} : memref<100x64xf32, #tpu.memory_space<vmem>>, vector<1x16xf32>,
        %swap3A_269 = vector.shape_cast %swap3A_268 : vector<1x16xf32> to vector<16xf32>
        %swap3A_270 = vector.shape_cast %add3A_265 : vector<16xf32> to vector<1x16xf32>
        tpu.vector_store %arg9[%swap3A_266, %swap3A_267], %swap3A_270 {strides = array<i32>} : memref<100x64xf32, #tpu.memory_space<vmem>>, vector<1x16xf32>,
        %get3A_271 = arith.index_cast %add3A_244 : i32 to index
        %get3A_272 = arith.constant 32 : index
        %get3A_273 = tpu.vector_load %arg9[%get3A_271, %get3A_272] {strides = array<i32>} : memref<100x64xf32, #tpu.memory_space<vmem>>, vector<1x16xf32>,
        %get3A_274 = vector.shape_cast %get3A_273 : vector<1x16xf32> to vector<16xf32>
        %get3A_275 = arith.index_cast %add3A_244 : i32 to index
        %get3A_276 = arith.constant 32 : index
        %get3A_277 = tpu.vector_load %arg7[%get3A_275, %get3A_276] {strides = array<i32>} : memref<100x64xf32, #tpu.memory_space<vmem>>, vector<1x16xf32>,
        %get3A_278 = vector.shape_cast %get3A_277 : vector<1x16xf32> to vector<16xf32>
        %add3A_279 = arith.addf %get3A_274, %get3A_278 : vector<16xf32>
        %swap3A_280 = arith.index_cast %add3A_244 : i32 to index
        %swap3A_281 = arith.constant 32 : index
        %swap3A_282 = tpu.vector_load %arg9[%swap3A_280, %swap3A_281] {strides = array<i32>} : memref<100x64xf32, #tpu.memory_space<vmem>>, vector<1x16xf32>,
        %swap3A_283 = vector.shape_cast %swap3A_282 : vector<1x16xf32> to vector<16xf32>
        %swap3A_284 = vector.shape_cast %add3A_279 : vector<16xf32> to vector<1x16xf32>
        tpu.vector_store %arg9[%swap3A_280, %swap3A_281], %swap3A_284 {strides = array<i32>} : memref<100x64xf32, #tpu.memory_space<vmem>>, vector<1x16xf32>,
        %get3A_285 = arith.index_cast %add3A_244 : i32 to index
        %get3A_286 = arith.constant 48 : index
        %get3A_287 = tpu.vector_load %arg9[%get3A_285, %get3A_286] {strides = array<i32>} : memref<100x64xf32, #tpu.memory_space<vmem>>, vector<1x16xf32>,
        %get3A_288 = vector.shape_cast %get3A_287 : vector<1x16xf32> to vector<16xf32>
        %get3A_289 = arith.index_cast %add3A_244 : i32 to index
        %get3A_290 = arith.constant 48 : index
        %get3A_291 = tpu.vector_load %arg7[%get3A_289, %get3A_290] {strides = array<i32>} : memref<100x64xf32, #tpu.memory_space<vmem>>, vector<1x16xf32>,
        %get3A_292 = vector.shape_cast %get3A_291 : vector<1x16xf32> to vector<16xf32>
        %add3A_293 = arith.addf %get3A_288, %get3A_292 : vector<16xf32>
        %swap3A_294 = arith.index_cast %add3A_244 : i32 to index
        %swap3A_295 = arith.constant 48 : index
        %swap3A_296 = tpu.vector_load %arg9[%swap3A_294, %swap3A_295] {strides = array<i32>} : memref<100x64xf32, #tpu.memory_space<vmem>>, vector<1x16xf32>,
        %swap3A_297 = vector.shape_cast %swap3A_296 : vector<1x16xf32> to vector<16xf32>
        %swap3A_298 = vector.shape_cast %add3A_293 : vector<16xf32> to vector<1x16xf32>
        tpu.vector_store %arg9[%swap3A_294, %swap3A_295], %swap3A_298 {strides = array<i32>} : memref<100x64xf32, #tpu.memory_space<vmem>>, vector<1x16xf32>,
        %mul3A_299 = arith.constant 4 : i32
        %mul3A_300 = arith.muli %scan3A_240, %mul3A_299 : i32
        %add3A_301 = arith.constant 1 : i32
        %add3A_302 = arith.addi %mul3A_300, %add3A_301 : i32
        %get3A_303 = arith.index_cast %add3A_302 : i32 to index
        %get3A_304 = arith.constant 0 : index
        %get3A_305 = tpu.vector_load %arg9[%get3A_303, %get3A_304] {strides = array<i32>} : memref<100x64xf32, #tpu.memory_space<vmem>>, vector<1x16xf32>,
        %get3A_306 = vector.shape_cast %get3A_305 : vector<1x16xf32> to vector<16xf32>
        %get3A_307 = arith.index_cast %add3A_302 : i32 to index
        %get3A_308 = arith.constant 0 : index
        %get3A_309 = tpu.vector_load %arg7[%get3A_307, %get3A_308] {strides = array<i32>} : memref<100x64xf32, #tpu.memory_space<vmem>>, vector<1x16xf32>,
        %get3A_310 = vector.shape_cast %get3A_309 : vector<1x16xf32> to vector<16xf32>
        %add3A_311 = arith.addf %get3A_306, %get3A_310 : vector<16xf32>
        %swap3A_312 = arith.index_cast %add3A_302 : i32 to index
        %swap3A_313 = arith.constant 0 : index
        %swap3A_314 = tpu.vector_load %arg9[%swap3A_312, %swap3A_313] {strides = array<i32>} : memref<100x64xf32, #tpu.memory_space<vmem>>, vector<1x16xf32>,
        %swap3A_315 = vector.shape_cast %swap3A_314 : vector<1x16xf32> to vector<16xf32>
        %swap3A_316 = vector.shape_cast %add3A_311 : vector<16xf32> to vector<1x16xf32>
        tpu.vector_store %arg9[%swap3A_312, %swap3A_313], %swap3A_316 {strides = array<i32>} : memref<100x64xf32, #tpu.memory_space<vmem>>, vector<1x16xf32>,
        %get3A_317 = arith.index_cast %add3A_302 : i32 to index
        %get3A_318 = arith.constant 16 : index
        %get3A_319 = tpu.vector_load %arg9[%get3A_317, %get3A_318] {strides = array<i32>} : memref<100x64xf32, #tpu.memory_space<vmem>>, vector<1x16xf32>,
        %get3A_320 = vector.shape_cast %get3A_319 : vector<1x16xf32> to vector<16xf32>
        %get3A_321 = arith.index_cast %add3A_302 : i32 to index
        %get3A_322 = arith.constant 16 : index
        %get3A_323 = tpu.vector_load %arg7[%get3A_321, %get3A_322] {strides = array<i32>} : memref<100x64xf32, #tpu.memory_space<vmem>>, vector<1x16xf32>,
        %get3A_324 = vector.shape_cast %get3A_323 : vector<1x16xf32> to vector<16xf32>
        %add3A_325 = arith.addf %get3A_320, %get3A_324 : vector<16xf32>
        %swap3A_326 = arith.index_cast %add3A_302 : i32 to index
        %swap3A_327 = arith.constant 16 : index
        %swap3A_328 = tpu.vector_load %arg9[%swap3A_326, %swap3A_327] {strides = array<i32>} : memref<100x64xf32, #tpu.memory_space<vmem>>, vector<1x16xf32>,
        %swap3A_329 = vector.shape_cast %swap3A_328 : vector<1x16xf32> to vector<16xf32>
        %swap3A_330 = vector.shape_cast %add3A_325 : vector<16xf32> to vector<1x16xf32>
        tpu.vector_store %arg9[%swap3A_326, %swap3A_327], %swap3A_330 {strides = array<i32>} : memref<100x64xf32, #tpu.memory_space<vmem>>, vector<1x16xf32>,
        %get3A_331 = arith.index_cast %add3A_302 : i32 to index
        %get3A_332 = arith.constant 32 : index
        %get3A_333 = tpu.vector_load %arg9[%get3A_331, %get3A_332] {strides = array<i32>} : memref<100x64xf32, #tpu.memory_space<vmem>>, vector<1x16xf32>,
        %get3A_334 = vector.shape_cast %get3A_333 : vector<1x16xf32> to vector<16xf32>
        %get3A_335 = arith.index_cast %add3A_302 : i32 to index
        %get3A_336 = arith.constant 32 : index
        %get3A_337 = tpu.vector_load %arg7[%get3A_335, %get3A_336] {strides = array<i32>} : memref<100x64xf32, #tpu.memory_space<vmem>>, vector<1x16xf32>,
        %get3A_338 = vector.shape_cast %get3A_337 : vector<1x16xf32> to vector<16xf32>
        %add3A_339 = arith.addf %get3A_334, %get3A_338 : vector<16xf32>
        %swap3A_340 = arith.index_cast %add3A_302 : i32 to index
        %swap3A_341 = arith.constant 32 : index
        %swap3A_342 = tpu.vector_load %arg9[%swap3A_340, %swap3A_341] {strides = array<i32>} : memref<100x64xf32, #tpu.memory_space<vmem>>, vector<1x16xf32>,
        %swap3A_343 = vector.shape_cast %swap3A_342 : vector<1x16xf32> to vector<16xf32>
        %swap3A_344 = vector.shape_cast %add3A_339 : vector<16xf32> to vector<1x16xf32>
        tpu.vector_store %arg9[%swap3A_340, %swap3A_341], %swap3A_344 {strides = array<i32>} : memref<100x64xf32, #tpu.memory_space<vmem>>, vector<1x16xf32>,
        %get3A_345 = arith.index_cast %add3A_302 : i32 to index
        %get3A_346 = arith.constant 48 : index
        %get3A_347 = tpu.vector_load %arg9[%get3A_345, %get3A_346] {strides = array<i32>} : memref<100x64xf32, #tpu.memory_space<vmem>>, vector<1x16xf32>,
        %get3A_348 = vector.shape_cast %get3A_347 : vector<1x16xf32> to vector<16xf32>
        %get3A_349 = arith.index_cast %add3A_302 : i32 to index
        %get3A_350 = arith.constant 48 : index
        %get3A_351 = tpu.vector_load %arg7[%get3A_349, %get3A_350] {strides = array<i32>} : memref<100x64xf32, #tpu.memory_space<vmem>>, vector<1x16xf32>,
        %get3A_352 = vector.shape_cast %get3A_351 : vector<1x16xf32> to vector<16xf32>
        %add3A_353 = arith.addf %get3A_348, %get3A_352 : vector<16xf32>
        %swap3A_354 = arith.index_cast %add3A_302 : i32 to index
        %swap3A_355 = arith.constant 48 : index
        %swap3A_356 = tpu.vector_load %arg9[%swap3A_354, %swap3A_355] {strides = array<i32>} : memref<100x64xf32, #tpu.memory_space<vmem>>, vector<1x16xf32>,
        %swap3A_357 = vector.shape_cast %swap3A_356 : vector<1x16xf32> to vector<16xf32>
        %swap3A_358 = vector.shape_cast %add3A_353 : vector<16xf32> to vector<1x16xf32>
        tpu.vector_store %arg9[%swap3A_354, %swap3A_355], %swap3A_358 {strides = array<i32>} : memref<100x64xf32, #tpu.memory_space<vmem>>, vector<1x16xf32>,
        %mul3A_359 = arith.constant 4 : i32
        %mul3A_360 = arith.muli %scan3A_240, %mul3A_359 : i32
        %add3A_361 = arith.constant 2 : i32
        %add3A_362 = arith.addi %mul3A_360, %add3A_361 : i32
        %get3A_363 = arith.index_cast %add3A_362 : i32 to index
        %get3A_364 = arith.constant 0 : index
        %get3A_365 = tpu.vector_load %arg9[%get3A_363, %get3A_364] {strides = array<i32>} : memref<100x64xf32, #tpu.memory_space<vmem>>, vector<1x16xf32>,
        %get3A_366 = vector.shape_cast %get3A_365 : vector<1x16xf32> to vector<16xf32>
        %get3A_367 = arith.index_cast %add3A_362 : i32 to index
        %get3A_368 = arith.constant 0 : index
        %get3A_369 = tpu.vector_load %arg7[%get3A_367, %get3A_368] {strides = array<i32>} : memref<100x64xf32, #tpu.memory_space<vmem>>, vector<1x16xf32>,
        %get3A_370 = vector.shape_cast %get3A_369 : vector<1x16xf32> to vector<16xf32>
        %add3A_371 = arith.addf %get3A_366, %get3A_370 : vector<16xf32>
        %swap3A_372 = arith.index_cast %add3A_362 : i32 to index
        %swap3A_373 = arith.constant 0 : index
        %swap3A_374 = tpu.vector_load %arg9[%swap3A_372, %swap3A_373] {strides = array<i32>} : memref<100x64xf32, #tpu.memory_space<vmem>>, vector<1x16xf32>,
        %swap3A_375 = vector.shape_cast %swap3A_374 : vector<1x16xf32> to vector<16xf32>
        %swap3A_376 = vector.shape_cast %add3A_371 : vector<16xf32> to vector<1x16xf32>
        tpu.vector_store %arg9[%swap3A_372, %swap3A_373], %swap3A_376 {strides = array<i32>} : memref<100x64xf32, #tpu.memory_space<vmem>>, vector<1x16xf32>,
        %get3A_377 = arith.index_cast %add3A_362 : i32 to index
        %get3A_378 = arith.constant 16 : index
        %get3A_379 = tpu.vector_load %arg9[%get3A_377, %get3A_378] {strides = array<i32>} : memref<100x64xf32, #tpu.memory_space<vmem>>, vector<1x16xf32>,
        %get3A_380 = vector.shape_cast %get3A_379 : vector<1x16xf32> to vector<16xf32>
        %get3A_381 = arith.index_cast %add3A_362 : i32 to index
        %get3A_382 = arith.constant 16 : index
        %get3A_383 = tpu.vector_load %arg7[%get3A_381, %get3A_382] {strides = array<i32>} : memref<100x64xf32, #tpu.memory_space<vmem>>, vector<1x16xf32>,
        %get3A_384 = vector.shape_cast %get3A_383 : vector<1x16xf32> to vector<16xf32>
        %add3A_385 = arith.addf %get3A_380, %get3A_384 : vector<16xf32>
        %swap3A_386 = arith.index_cast %add3A_362 : i32 to index
        %swap3A_387 = arith.constant 16 : index
        %swap3A_388 = tpu.vector_load %arg9[%swap3A_386, %swap3A_387] {strides = array<i32>} : memref<100x64xf32, #tpu.memory_space<vmem>>, vector<1x16xf32>,
        %swap3A_389 = vector.shape_cast %swap3A_388 : vector<1x16xf32> to vector<16xf32>
        %swap3A_390 = vector.shape_cast %add3A_385 : vector<16xf32> to vector<1x16xf32>
        tpu.vector_store %arg9[%swap3A_386, %swap3A_387], %swap3A_390 {strides = array<i32>} : memref<100x64xf32, #tpu.memory_space<vmem>>, vector<1x16xf32>,
        %get3A_391 = arith.index_cast %add3A_362 : i32 to index
        %get3A_392 = arith.constant 32 : index
        %get3A_393 = tpu.vector_load %arg9[%get3A_391, %get3A_392] {strides = array<i32>} : memref<100x64xf32, #tpu.memory_space<vmem>>, vector<1x16xf32>,
        %get3A_394 = vector.shape_cast %get3A_393 : vector<1x16xf32> to vector<16xf32>
        %get3A_395 = arith.index_cast %add3A_362 : i32 to index
        %get3A_396 = arith.constant 32 : index
        %get3A_397 = tpu.vector_load %arg7[%get3A_395, %get3A_396] {strides = array<i32>} : memref<100x64xf32, #tpu.memory_space<vmem>>, vector<1x16xf32>,
        %get3A_398 = vector.shape_cast %get3A_397 : vector<1x16xf32> to vector<16xf32>
        %add3A_399 = arith.addf %get3A_394, %get3A_398 : vector<16xf32>
        %swap3A_400 = arith.index_cast %add3A_362 : i32 to index
        %swap3A_401 = arith.constant 32 : index
        %swap3A_402 = tpu.vector_load %arg9[%swap3A_400, %swap3A_401] {strides = array<i32>} : memref<100x64xf32, #tpu.memory_space<vmem>>, vector<1x16xf32>,
        %swap3A_403 = vector.shape_cast %swap3A_402 : vector<1x16xf32> to vector<16xf32>
        %swap3A_404 = vector.shape_cast %add3A_399 : vector<16xf32> to vector<1x16xf32>
        tpu.vector_store %arg9[%swap3A_400, %swap3A_401], %swap3A_404 {strides = array<i32>} : memref<100x64xf32, #tpu.memory_space<vmem>>, vector<1x16xf32>,
        %get3A_405 = arith.index_cast %add3A_362 : i32 to index
        %get3A_406 = arith.constant 48 : index
        %get3A_407 = tpu.vector_load %arg9[%get3A_405, %get3A_406] {strides = array<i32>} : memref<100x64xf32, #tpu.memory_space<vmem>>, vector<1x16xf32>,
        %get3A_408 = vector.shape_cast %get3A_407 : vector<1x16xf32> to vector<16xf32>
        %get3A_409 = arith.index_cast %add3A_362 : i32 to index
        %get3A_410 = arith.constant 48 : index
        %get3A_411 = tpu.vector_load %arg7[%get3A_409, %get3A_410] {strides = array<i32>} : memref<100x64xf32, #tpu.memory_space<vmem>>, vector<1x16xf32>,
        %get3A_412 = vector.shape_cast %get3A_411 : vector<1x16xf32> to vector<16xf32>
        %add3A_413 = arith.addf %get3A_408, %get3A_412 : vector<16xf32>
        %swap3A_414 = arith.index_cast %add3A_362 : i32 to index
        %swap3A_415 = arith.constant 48 : index
        %swap3A_416 = tpu.vector_load %arg9[%swap3A_414, %swap3A_415] {strides = array<i32>} : memref<100x64xf32, #tpu.memory_space<vmem>>, vector<1x16xf32>,
        %swap3A_417 = vector.shape_cast %swap3A_416 : vector<1x16xf32> to vector<16xf32>
        %swap3A_418 = vector.shape_cast %add3A_413 : vector<16xf32> to vector<1x16xf32>
        tpu.vector_store %arg9[%swap3A_414, %swap3A_415], %swap3A_418 {strides = array<i32>} : memref<100x64xf32, #tpu.memory_space<vmem>>, vector<1x16xf32>,
        %mul3A_419 = arith.constant 4 : i32
        %mul3A_420 = arith.muli %scan3A_240, %mul3A_419 : i32
        %add3A_421 = arith.constant 3 : i32
        %add3A_422 = arith.addi %mul3A_420, %add3A_421 : i32
        %get3A_423 = arith.index_cast %add3A_422 : i32 to index
        %get3A_424 = arith.constant 0 : index
        %get3A_425 = tpu.vector_load %arg9[%get3A_423, %get3A_424] {strides = array<i32>} : memref<100x64xf32, #tpu.memory_space<vmem>>, vector<1x16xf32>,
        %get3A_426 = vector.shape_cast %get3A_425 : vector<1x16xf32> to vector<16xf32>
        %get3A_427 = arith.index_cast %add3A_422 : i32 to index
        %get3A_428 = arith.constant 0 : index
        %get3A_429 = tpu.vector_load %arg7[%get3A_427, %get3A_428] {strides = array<i32>} : memref<100x64xf32, #tpu.memory_space<vmem>>, vector<1x16xf32>,
        %get3A_430 = vector.shape_cast %get3A_429 : vector<1x16xf32> to vector<16xf32>
        %add3A_431 = arith.addf %get3A_426, %get3A_430 : vector<16xf32>
        %swap3A_432 = arith.index_cast %add3A_422 : i32 to index
        %swap3A_433 = arith.constant 0 : index
        %swap3A_434 = tpu.vector_load %arg9[%swap3A_432, %swap3A_433] {strides = array<i32>} : memref<100x64xf32, #tpu.memory_space<vmem>>, vector<1x16xf32>,
        %swap3A_435 = vector.shape_cast %swap3A_434 : vector<1x16xf32> to vector<16xf32>
        %swap3A_436 = vector.shape_cast %add3A_431 : vector<16xf32> to vector<1x16xf32>
        tpu.vector_store %arg9[%swap3A_432, %swap3A_433], %swap3A_436 {strides = array<i32>} : memref<100x64xf32, #tpu.memory_space<vmem>>, vector<1x16xf32>,
        %get3A_437 = arith.index_cast %add3A_422 : i32 to index
        %get3A_438 = arith.constant 16 : index
        %get3A_439 = tpu.vector_load %arg9[%get3A_437, %get3A_438] {strides = array<i32>} : memref<100x64xf32, #tpu.memory_space<vmem>>, vector<1x16xf32>,
        %get3A_440 = vector.shape_cast %get3A_439 : vector<1x16xf32> to vector<16xf32>
        %get3A_441 = arith.index_cast %add3A_422 : i32 to index
        %get3A_442 = arith.constant 16 : index
        %get3A_443 = tpu.vector_load %arg7[%get3A_441, %get3A_442] {strides = array<i32>} : memref<100x64xf32, #tpu.memory_space<vmem>>, vector<1x16xf32>,
        %get3A_444 = vector.shape_cast %get3A_443 : vector<1x16xf32> to vector<16xf32>
        %add3A_445 = arith.addf %get3A_440, %get3A_444 : vector<16xf32>
        %swap3A_446 = arith.index_cast %add3A_422 : i32 to index
        %swap3A_447 = arith.constant 16 : index
        %swap3A_448 = tpu.vector_load %arg9[%swap3A_446, %swap3A_447] {strides = array<i32>} : memref<100x64xf32, #tpu.memory_space<vmem>>, vector<1x16xf32>,
        %swap3A_449 = vector.shape_cast %swap3A_448 : vector<1x16xf32> to vector<16xf32>
        %swap3A_450 = vector.shape_cast %add3A_445 : vector<16xf32> to vector<1x16xf32>
        tpu.vector_store %arg9[%swap3A_446, %swap3A_447], %swap3A_450 {strides = array<i32>} : memref<100x64xf32, #tpu.memory_space<vmem>>, vector<1x16xf32>,
        %get3A_451 = arith.index_cast %add3A_422 : i32 to index
        %get3A_452 = arith.constant 32 : index
        %get3A_453 = tpu.vector_load %arg9[%get3A_451, %get3A_452] {strides = array<i32>} : memref<100x64xf32, #tpu.memory_space<vmem>>, vector<1x16xf32>,
        %get3A_454 = vector.shape_cast %get3A_453 : vector<1x16xf32> to vector<16xf32>
        %get3A_455 = arith.index_cast %add3A_422 : i32 to index
        %get3A_456 = arith.constant 32 : index
        %get3A_457 = tpu.vector_load %arg7[%get3A_455, %get3A_456] {strides = array<i32>} : memref<100x64xf32, #tpu.memory_space<vmem>>, vector<1x16xf32>,
        %get3A_458 = vector.shape_cast %get3A_457 : vector<1x16xf32> to vector<16xf32>
        %add3A_459 = arith.addf %get3A_454, %get3A_458 : vector<16xf32>
        %swap3A_460 = arith.index_cast %add3A_422 : i32 to index
        %swap3A_461 = arith.constant 32 : index
        %swap3A_462 = tpu.vector_load %arg9[%swap3A_460, %swap3A_461] {strides = array<i32>} : memref<100x64xf32, #tpu.memory_space<vmem>>, vector<1x16xf32>,
        %swap3A_463 = vector.shape_cast %swap3A_462 : vector<1x16xf32> to vector<16xf32>
        %swap3A_464 = vector.shape_cast %add3A_459 : vector<16xf32> to vector<1x16xf32>
        tpu.vector_store %arg9[%swap3A_460, %swap3A_461], %swap3A_464 {strides = array<i32>} : memref<100x64xf32, #tpu.memory_space<vmem>>, vector<1x16xf32>,
        %get3A_465 = arith.index_cast %add3A_422 : i32 to index
        %get3A_466 = arith.constant 48 : index
        %get3A_467 = tpu.vector_load %arg9[%get3A_465, %get3A_466] {strides = array<i32>} : memref<100x64xf32, #tpu.memory_space<vmem>>, vector<1x16xf32>,
        %get3A_468 = vector.shape_cast %get3A_467 : vector<1x16xf32> to vector<16xf32>
        %get3A_469 = arith.index_cast %add3A_422 : i32 to index
        %get3A_470 = arith.constant 48 : index
        %get3A_471 = tpu.vector_load %arg7[%get3A_469, %get3A_470] {strides = array<i32>} : memref<100x64xf32, #tpu.memory_space<vmem>>, vector<1x16xf32>,
        %get3A_472 = vector.shape_cast %get3A_471 : vector<1x16xf32> to vector<16xf32>
        %add3A_473 = arith.addf %get3A_468, %get3A_472 : vector<16xf32>
        %swap3A_474 = arith.index_cast %add3A_422 : i32 to index
        %swap3A_475 = arith.constant 48 : index
        %swap3A_476 = tpu.vector_load %arg9[%swap3A_474, %swap3A_475] {strides = array<i32>} : memref<100x64xf32, #tpu.memory_space<vmem>>, vector<1x16xf32>,
        %swap3A_477 = vector.shape_cast %swap3A_476 : vector<1x16xf32> to vector<16xf32>
        %swap3A_478 = vector.shape_cast %add3A_473 : vector<16xf32> to vector<1x16xf32>
        tpu.vector_store %arg9[%swap3A_474, %swap3A_475], %swap3A_478 {strides = array<i32>} : memref<100x64xf32, #tpu.memory_space<vmem>>, vector<1x16xf32>,
      }
      %scan3A_101 = arith.constant 25 : i32
      %add3A_102 = arith.addi %mul3A_2, %mul3A_64 : i32
      %add3A_103 = arith.constant 1 : i32
      %add3A_104 = arith.addi %add3A_102, %add3A_103 : i32
      %dma_start3A_105 = arith.constant 0 : i32
      %dma_start3A_106 = arith.constant 0 : i32
      %dma_start3A_107 = tpu.memref_slice %arg5[%add3A_104, %dma_start3A_105, %dma_start3A_106] : memref<2048x100x64xf32, #tpu.memory_space<hbm>> -> memref<1x100x64xf32, #tpu.memory_space<hbm>>
      %dma_start3A_108 = tpu.memref_squeeze %dma_start3A_107 : memref<1x100x64xf32, #tpu.memory_space<hbm>> -> memref<100x64xf32, #tpu.memory_space<hbm>>
      %dma_start3A_109 = arith.constant 0 : i32
      %dma_start3A_110 = arith.constant 0 : i32
      %dma_start3A_111 = tpu.memref_slice %arg5[%add3A_104, %dma_start3A_109, %dma_start3A_110] : memref<2048x100x64xf32, #tpu.memory_space<hbm>> -> memref<1x100x64xf32, #tpu.memory_space<hbm>>
      %dma_start3A_112 = tpu.memref_squeeze %dma_start3A_111 : memref<1x100x64xf32, #tpu.memory_space<hbm>> -> memref<100x64xf32, #tpu.memory_space<hbm>>
      tpu.enqueue_dma source(%arg9 : memref<100x64xf32, #tpu.memory_space<vmem>>) target(%dma_start3A_112 : memref<100x64xf32, #tpu.memory_space<hbm>>) target_semaphore(%arg17 : memref<!tpu.dma_semaphore, #tpu.memory_space<semaphore_mem>>)
      %dma_wait3A_113 = arith.constant 0 : i32
      %dma_wait3A_114 = arith.constant 0 : i32
      %dma_wait3A_115 = tpu.memref_slice %arg6[%dma_wait3A_113, %dma_wait3A_114] : memref<64x100xi32, #tpu.memory_space<vmem>> -> memref<1x100xi32, #tpu.memory_space<vmem>>
      %dma_wait3A_116 = tpu.memref_squeeze %dma_wait3A_115 : memref<1x100xi32, #tpu.memory_space<vmem>> -> memref<100xi32, #tpu.memory_space<vmem>>
      %dma_wait3A_117 = arith.constant 0 : i32
      %dma_wait3A_118 = arith.constant 0 : i32
      %dma_wait3A_119 = tpu.memref_slice %arg2[%dma_wait3A_117, %dma_wait3A_118] : memref<1000000x64xf32, #tpu.memory_space<hbm>> -> memref<1000000x64xf32, #tpu.memory_space<hbm>>
      tpu.wait_indirect_dma semaphore(%arg14 : memref<!tpu.dma_semaphore, #tpu.memory_space<semaphore_mem>>) src(%dma_wait3A_119 : memref<1000000x64xf32, #tpu.memory_space<hbm>>) dst(%arg10 : memref<100x64xf32, #tpu.memory_space<vmem>>)
      %scan3A_120 = arith.constant 0 : i32
      %scan3A_121 = arith.constant 0 : i32
      %scan3A_122 = arith.constant 25 : i32
      %scan3A_123 = arith.addi %scan3A_121, %scan3A_122 : i32
      %scan3A_124 = arith.constant 1 : i32
      scf.for %scan3A_240 = %scan3A_121 to %scan3A_123 step %scan3A_124  : i32 {
        %mul3A_241 = arith.constant 4 : i32
        %mul3A_242 = arith.muli %scan3A_240, %mul3A_241 : i32
        %add3A_243 = arith.constant 0 : i32
        %add3A_244 = arith.addi %mul3A_242, %add3A_243 : i32
        %get3A = arith.index_cast %add3A_244 : i32 to index
        %get3A_245 = arith.constant 0 : index
        %get3A_246 = tpu.vector_load %arg10[%get3A, %get3A_245] {strides = array<i32>} : memref<100x64xf32, #tpu.memory_space<vmem>>, vector<1x16xf32>,
        %get3A_247 = vector.shape_cast %get3A_246 : vector<1x16xf32> to vector<16xf32>
        %get3A_248 = arith.index_cast %add3A_244 : i32 to index
        %get3A_249 = arith.constant 0 : index
        %get3A_250 = tpu.vector_load %arg7[%get3A_248, %get3A_249] {strides = array<i32>} : memref<100x64xf32, #tpu.memory_space<vmem>>, vector<1x16xf32>,
        %get3A_251 = vector.shape_cast %get3A_250 : vector<1x16xf32> to vector<16xf32>
        %add3A_252 = arith.addf %get3A_247, %get3A_251 : vector<16xf32>
        %swap3A = arith.index_cast %add3A_244 : i32 to index
        %swap3A_253 = arith.constant 0 : index
        %swap3A_254 = tpu.vector_load %arg10[%swap3A, %swap3A_253] {strides = array<i32>} : memref<100x64xf32, #tpu.memory_space<vmem>>, vector<1x16xf32>,
        %swap3A_255 = vector.shape_cast %swap3A_254 : vector<1x16xf32> to vector<16xf32>
        %swap3A_256 = vector.shape_cast %add3A_252 : vector<16xf32> to vector<1x16xf32>
        tpu.vector_store %arg10[%swap3A, %swap3A_253], %swap3A_256 {strides = array<i32>} : memref<100x64xf32, #tpu.memory_space<vmem>>, vector<1x16xf32>,
        %get3A_257 = arith.index_cast %add3A_244 : i32 to index
        %get3A_258 = arith.constant 16 : index
        %get3A_259 = tpu.vector_load %arg10[%get3A_257, %get3A_258] {strides = array<i32>} : memref<100x64xf32, #tpu.memory_space<vmem>>, vector<1x16xf32>,
        %get3A_260 = vector.shape_cast %get3A_259 : vector<1x16xf32> to vector<16xf32>
        %get3A_261 = arith.index_cast %add3A_244 : i32 to index
        %get3A_262 = arith.constant 16 : index
        %get3A_263 = tpu.vector_load %arg7[%get3A_261, %get3A_262] {strides = array<i32>} : memref<100x64xf32, #tpu.memory_space<vmem>>, vector<1x16xf32>,
        %get3A_264 = vector.shape_cast %get3A_263 : vector<1x16xf32> to vector<16xf32>
        %add3A_265 = arith.addf %get3A_260, %get3A_264 : vector<16xf32>
        %swap3A_266 = arith.index_cast %add3A_244 : i32 to index
        %swap3A_267 = arith.constant 16 : index
        %swap3A_268 = tpu.vector_load %arg10[%swap3A_266, %swap3A_267] {strides = array<i32>} : memref<100x64xf32, #tpu.memory_space<vmem>>, vector<1x16xf32>,
        %swap3A_269 = vector.shape_cast %swap3A_268 : vector<1x16xf32> to vector<16xf32>
        %swap3A_270 = vector.shape_cast %add3A_265 : vector<16xf32> to vector<1x16xf32>
        tpu.vector_store %arg10[%swap3A_266, %swap3A_267], %swap3A_270 {strides = array<i32>} : memref<100x64xf32, #tpu.memory_space<vmem>>, vector<1x16xf32>,
        %get3A_271 = arith.index_cast %add3A_244 : i32 to index
        %get3A_272 = arith.constant 32 : index
        %get3A_273 = tpu.vector_load %arg10[%get3A_271, %get3A_272] {strides = array<i32>} : memref<100x64xf32, #tpu.memory_space<vmem>>, vector<1x16xf32>,
        %get3A_274 = vector.shape_cast %get3A_273 : vector<1x16xf32> to vector<16xf32>
        %get3A_275 = arith.index_cast %add3A_244 : i32 to index
        %get3A_276 = arith.constant 32 : index
        %get3A_277 = tpu.vector_load %arg7[%get3A_275, %get3A_276] {strides = array<i32>} : memref<100x64xf32, #tpu.memory_space<vmem>>, vector<1x16xf32>,
        %get3A_278 = vector.shape_cast %get3A_277 : vector<1x16xf32> to vector<16xf32>
        %add3A_279 = arith.addf %get3A_274, %get3A_278 : vector<16xf32>
        %swap3A_280 = arith.index_cast %add3A_244 : i32 to index
        %swap3A_281 = arith.constant 32 : index
        %swap3A_282 = tpu.vector_load %arg10[%swap3A_280, %swap3A_281] {strides = array<i32>} : memref<100x64xf32, #tpu.memory_space<vmem>>, vector<1x16xf32>,
        %swap3A_283 = vector.shape_cast %swap3A_282 : vector<1x16xf32> to vector<16xf32>
        %swap3A_284 = vector.shape_cast %add3A_279 : vector<16xf32> to vector<1x16xf32>
        tpu.vector_store %arg10[%swap3A_280, %swap3A_281], %swap3A_284 {strides = array<i32>} : memref<100x64xf32, #tpu.memory_space<vmem>>, vector<1x16xf32>,
        %get3A_285 = arith.index_cast %add3A_244 : i32 to index
        %get3A_286 = arith.constant 48 : index
        %get3A_287 = tpu.vector_load %arg10[%get3A_285, %get3A_286] {strides = array<i32>} : memref<100x64xf32, #tpu.memory_space<vmem>>, vector<1x16xf32>,
        %get3A_288 = vector.shape_cast %get3A_287 : vector<1x16xf32> to vector<16xf32>
        %get3A_289 = arith.index_cast %add3A_244 : i32 to index
        %get3A_290 = arith.constant 48 : index
        %get3A_291 = tpu.vector_load %arg7[%get3A_289, %get3A_290] {strides = array<i32>} : memref<100x64xf32, #tpu.memory_space<vmem>>, vector<1x16xf32>,
        %get3A_292 = vector.shape_cast %get3A_291 : vector<1x16xf32> to vector<16xf32>
        %add3A_293 = arith.addf %get3A_288, %get3A_292 : vector<16xf32>
        %swap3A_294 = arith.index_cast %add3A_244 : i32 to index
        %swap3A_295 = arith.constant 48 : index
        %swap3A_296 = tpu.vector_load %arg10[%swap3A_294, %swap3A_295] {strides = array<i32>} : memref<100x64xf32, #tpu.memory_space<vmem>>, vector<1x16xf32>,
        %swap3A_297 = vector.shape_cast %swap3A_296 : vector<1x16xf32> to vector<16xf32>
        %swap3A_298 = vector.shape_cast %add3A_293 : vector<16xf32> to vector<1x16xf32>
        tpu.vector_store %arg10[%swap3A_294, %swap3A_295], %swap3A_298 {strides = array<i32>} : memref<100x64xf32, #tpu.memory_space<vmem>>, vector<1x16xf32>,
        %mul3A_299 = arith.constant 4 : i32
        %mul3A_300 = arith.muli %scan3A_240, %mul3A_299 : i32
        %add3A_301 = arith.constant 1 : i32
        %add3A_302 = arith.addi %mul3A_300, %add3A_301 : i32
        %get3A_303 = arith.index_cast %add3A_302 : i32 to index
        %get3A_304 = arith.constant 0 : index
        %get3A_305 = tpu.vector_load %arg10[%get3A_303, %get3A_304] {strides = array<i32>} : memref<100x64xf32, #tpu.memory_space<vmem>>, vector<1x16xf32>,
        %get3A_306 = vector.shape_cast %get3A_305 : vector<1x16xf32> to vector<16xf32>
        %get3A_307 = arith.index_cast %add3A_302 : i32 to index
        %get3A_308 = arith.constant 0 : index
        %get3A_309 = tpu.vector_load %arg7[%get3A_307, %get3A_308] {strides = array<i32>} : memref<100x64xf32, #tpu.memory_space<vmem>>, vector<1x16xf32>,
        %get3A_310 = vector.shape_cast %get3A_309 : vector<1x16xf32> to vector<16xf32>
        %add3A_311 = arith.addf %get3A_306, %get3A_310 : vector<16xf32>
        %swap3A_312 = arith.index_cast %add3A_302 : i32 to index
        %swap3A_313 = arith.constant 0 : index
        %swap3A_314 = tpu.vector_load %arg10[%swap3A_312, %swap3A_313] {strides = array<i32>} : memref<100x64xf32, #tpu.memory_space<vmem>>, vector<1x16xf32>,
        %swap3A_315 = vector.shape_cast %swap3A_314 : vector<1x16xf32> to vector<16xf32>
        %swap3A_316 = vector.shape_cast %add3A_311 : vector<16xf32> to vector<1x16xf32>
        tpu.vector_store %arg10[%swap3A_312, %swap3A_313], %swap3A_316 {strides = array<i32>} : memref<100x64xf32, #tpu.memory_space<vmem>>, vector<1x16xf32>,
        %get3A_317 = arith.index_cast %add3A_302 : i32 to index
        %get3A_318 = arith.constant 16 : index
        %get3A_319 = tpu.vector_load %arg10[%get3A_317, %get3A_318] {strides = array<i32>} : memref<100x64xf32, #tpu.memory_space<vmem>>, vector<1x16xf32>,
        %get3A_320 = vector.shape_cast %get3A_319 : vector<1x16xf32> to vector<16xf32>
        %get3A_321 = arith.index_cast %add3A_302 : i32 to index
        %get3A_322 = arith.constant 16 : index
        %get3A_323 = tpu.vector_load %arg7[%get3A_321, %get3A_322] {strides = array<i32>} : memref<100x64xf32, #tpu.memory_space<vmem>>, vector<1x16xf32>,
        %get3A_324 = vector.shape_cast %get3A_323 : vector<1x16xf32> to vector<16xf32>
        %add3A_325 = arith.addf %get3A_320, %get3A_324 : vector<16xf32>
        %swap3A_326 = arith.index_cast %add3A_302 : i32 to index
        %swap3A_327 = arith.constant 16 : index
        %swap3A_328 = tpu.vector_load %arg10[%swap3A_326, %swap3A_327] {strides = array<i32>} : memref<100x64xf32, #tpu.memory_space<vmem>>, vector<1x16xf32>,
        %swap3A_329 = vector.shape_cast %swap3A_328 : vector<1x16xf32> to vector<16xf32>
        %swap3A_330 = vector.shape_cast %add3A_325 : vector<16xf32> to vector<1x16xf32>
        tpu.vector_store %arg10[%swap3A_326, %swap3A_327], %swap3A_330 {strides = array<i32>} : memref<100x64xf32, #tpu.memory_space<vmem>>, vector<1x16xf32>,
        %get3A_331 = arith.index_cast %add3A_302 : i32 to index
        %get3A_332 = arith.constant 32 : index
        %get3A_333 = tpu.vector_load %arg10[%get3A_331, %get3A_332] {strides = array<i32>} : memref<100x64xf32, #tpu.memory_space<vmem>>, vector<1x16xf32>,
        %get3A_334 = vector.shape_cast %get3A_333 : vector<1x16xf32> to vector<16xf32>
        %get3A_335 = arith.index_cast %add3A_302 : i32 to index
        %get3A_336 = arith.constant 32 : index
        %get3A_337 = tpu.vector_load %arg7[%get3A_335, %get3A_336] {strides = array<i32>} : memref<100x64xf32, #tpu.memory_space<vmem>>, vector<1x16xf32>,
        %get3A_338 = vector.shape_cast %get3A_337 : vector<1x16xf32> to vector<16xf32>
        %add3A_339 = arith.addf %get3A_334, %get3A_338 : vector<16xf32>
        %swap3A_340 = arith.index_cast %add3A_302 : i32 to index
        %swap3A_341 = arith.constant 32 : index
        %swap3A_342 = tpu.vector_load %arg10[%swap3A_340, %swap3A_341] {strides = array<i32>} : memref<100x64xf32, #tpu.memory_space<vmem>>, vector<1x16xf32>,
        %swap3A_343 = vector.shape_cast %swap3A_342 : vector<1x16xf32> to vector<16xf32>
        %swap3A_344 = vector.shape_cast %add3A_339 : vector<16xf32> to vector<1x16xf32>
        tpu.vector_store %arg10[%swap3A_340, %swap3A_341], %swap3A_344 {strides = array<i32>} : memref<100x64xf32, #tpu.memory_space<vmem>>, vector<1x16xf32>,
        %get3A_345 = arith.index_cast %add3A_302 : i32 to index
        %get3A_346 = arith.constant 48 : index
        %get3A_347 = tpu.vector_load %arg10[%get3A_345, %get3A_346] {strides = array<i32>} : memref<100x64xf32, #tpu.memory_space<vmem>>, vector<1x16xf32>,
        %get3A_348 = vector.shape_cast %get3A_347 : vector<1x16xf32> to vector<16xf32>
        %get3A_349 = arith.index_cast %add3A_302 : i32 to index
        %get3A_350 = arith.constant 48 : index
        %get3A_351 = tpu.vector_load %arg7[%get3A_349, %get3A_350] {strides = array<i32>} : memref<100x64xf32, #tpu.memory_space<vmem>>, vector<1x16xf32>,
        %get3A_352 = vector.shape_cast %get3A_351 : vector<1x16xf32> to vector<16xf32>
        %add3A_353 = arith.addf %get3A_348, %get3A_352 : vector<16xf32>
        %swap3A_354 = arith.index_cast %add3A_302 : i32 to index
        %swap3A_355 = arith.constant 48 : index
        %swap3A_356 = tpu.vector_load %arg10[%swap3A_354, %swap3A_355] {strides = array<i32>} : memref<100x64xf32, #tpu.memory_space<vmem>>, vector<1x16xf32>,
        %swap3A_357 = vector.shape_cast %swap3A_356 : vector<1x16xf32> to vector<16xf32>
        %swap3A_358 = vector.shape_cast %add3A_353 : vector<16xf32> to vector<1x16xf32>
        tpu.vector_store %arg10[%swap3A_354, %swap3A_355], %swap3A_358 {strides = array<i32>} : memref<100x64xf32, #tpu.memory_space<vmem>>, vector<1x16xf32>,
        %mul3A_359 = arith.constant 4 : i32
        %mul3A_360 = arith.muli %scan3A_240, %mul3A_359 : i32
        %add3A_361 = arith.constant 2 : i32
        %add3A_362 = arith.addi %mul3A_360, %add3A_361 : i32
        %get3A_363 = arith.index_cast %add3A_362 : i32 to index
        %get3A_364 = arith.constant 0 : index
        %get3A_365 = tpu.vector_load %arg10[%get3A_363, %get3A_364] {strides = array<i32>} : memref<100x64xf32, #tpu.memory_space<vmem>>, vector<1x16xf32>,
        %get3A_366 = vector.shape_cast %get3A_365 : vector<1x16xf32> to vector<16xf32>
        %get3A_367 = arith.index_cast %add3A_362 : i32 to index
        %get3A_368 = arith.constant 0 : index
        %get3A_369 = tpu.vector_load %arg7[%get3A_367, %get3A_368] {strides = array<i32>} : memref<100x64xf32, #tpu.memory_space<vmem>>, vector<1x16xf32>,
        %get3A_370 = vector.shape_cast %get3A_369 : vector<1x16xf32> to vector<16xf32>
        %add3A_371 = arith.addf %get3A_366, %get3A_370 : vector<16xf32>
        %swap3A_372 = arith.index_cast %add3A_362 : i32 to index
        %swap3A_373 = arith.constant 0 : index
        %swap3A_374 = tpu.vector_load %arg10[%swap3A_372, %swap3A_373] {strides = array<i32>} : memref<100x64xf32, #tpu.memory_space<vmem>>, vector<1x16xf32>,
        %swap3A_375 = vector.shape_cast %swap3A_374 : vector<1x16xf32> to vector<16xf32>
        %swap3A_376 = vector.shape_cast %add3A_371 : vector<16xf32> to vector<1x16xf32>
        tpu.vector_store %arg10[%swap3A_372, %swap3A_373], %swap3A_376 {strides = array<i32>} : memref<100x64xf32, #tpu.memory_space<vmem>>, vector<1x16xf32>,
        %get3A_377 = arith.index_cast %add3A_362 : i32 to index
        %get3A_378 = arith.constant 16 : index
        %get3A_379 = tpu.vector_load %arg10[%get3A_377, %get3A_378] {strides = array<i32>} : memref<100x64xf32, #tpu.memory_space<vmem>>, vector<1x16xf32>,
        %get3A_380 = vector.shape_cast %get3A_379 : vector<1x16xf32> to vector<16xf32>
        %get3A_381 = arith.index_cast %add3A_362 : i32 to index
        %get3A_382 = arith.constant 16 : index
        %get3A_383 = tpu.vector_load %arg7[%get3A_381, %get3A_382] {strides = array<i32>} : memref<100x64xf32, #tpu.memory_space<vmem>>, vector<1x16xf32>,
        %get3A_384 = vector.shape_cast %get3A_383 : vector<1x16xf32> to vector<16xf32>
        %add3A_385 = arith.addf %get3A_380, %get3A_384 : vector<16xf32>
        %swap3A_386 = arith.index_cast %add3A_362 : i32 to index
        %swap3A_387 = arith.constant 16 : index
        %swap3A_388 = tpu.vector_load %arg10[%swap3A_386, %swap3A_387] {strides = array<i32>} : memref<100x64xf32, #tpu.memory_space<vmem>>, vector<1x16xf32>,
        %swap3A_389 = vector.shape_cast %swap3A_388 : vector<1x16xf32> to vector<16xf32>
        %swap3A_390 = vector.shape_cast %add3A_385 : vector<16xf32> to vector<1x16xf32>
        tpu.vector_store %arg10[%swap3A_386, %swap3A_387], %swap3A_390 {strides = array<i32>} : memref<100x64xf32, #tpu.memory_space<vmem>>, vector<1x16xf32>,
        %get3A_391 = arith.index_cast %add3A_362 : i32 to index
        %get3A_392 = arith.constant 32 : index
        %get3A_393 = tpu.vector_load %arg10[%get3A_391, %get3A_392] {strides = array<i32>} : memref<100x64xf32, #tpu.memory_space<vmem>>, vector<1x16xf32>,
        %get3A_394 = vector.shape_cast %get3A_393 : vector<1x16xf32> to vector<16xf32>
        %get3A_395 = arith.index_cast %add3A_362 : i32 to index
        %get3A_396 = arith.constant 32 : index
        %get3A_397 = tpu.vector_load %arg7[%get3A_395, %get3A_396] {strides = array<i32>} : memref<100x64xf32, #tpu.memory_space<vmem>>, vector<1x16xf32>,
        %get3A_398 = vector.shape_cast %get3A_397 : vector<1x16xf32> to vector<16xf32>
        %add3A_399 = arith.addf %get3A_394, %get3A_398 : vector<16xf32>
        %swap3A_400 = arith.index_cast %add3A_362 : i32 to index
        %swap3A_401 = arith.constant 32 : index
        %swap3A_402 = tpu.vector_load %arg10[%swap3A_400, %swap3A_401] {strides = array<i32>} : memref<100x64xf32, #tpu.memory_space<vmem>>, vector<1x16xf32>,
        %swap3A_403 = vector.shape_cast %swap3A_402 : vector<1x16xf32> to vector<16xf32>
        %swap3A_404 = vector.shape_cast %add3A_399 : vector<16xf32> to vector<1x16xf32>
        tpu.vector_store %arg10[%swap3A_400, %swap3A_401], %swap3A_404 {strides = array<i32>} : memref<100x64xf32, #tpu.memory_space<vmem>>, vector<1x16xf32>,
        %get3A_405 = arith.index_cast %add3A_362 : i32 to index
        %get3A_406 = arith.constant 48 : index
        %get3A_407 = tpu.vector_load %arg10[%get3A_405, %get3A_406] {strides = array<i32>} : memref<100x64xf32, #tpu.memory_space<vmem>>, vector<1x16xf32>,
        %get3A_408 = vector.shape_cast %get3A_407 : vector<1x16xf32> to vector<16xf32>
        %get3A_409 = arith.index_cast %add3A_362 : i32 to index
        %get3A_410 = arith.constant 48 : index
        %get3A_411 = tpu.vector_load %arg7[%get3A_409, %get3A_410] {strides = array<i32>} : memref<100x64xf32, #tpu.memory_space<vmem>>, vector<1x16xf32>,
        %get3A_412 = vector.shape_cast %get3A_411 : vector<1x16xf32> to vector<16xf32>
        %add3A_413 = arith.addf %get3A_408, %get3A_412 : vector<16xf32>
        %swap3A_414 = arith.index_cast %add3A_362 : i32 to index
        %swap3A_415 = arith.constant 48 : index
        %swap3A_416 = tpu.vector_load %arg10[%swap3A_414, %swap3A_415] {strides = array<i32>} : memref<100x64xf32, #tpu.memory_space<vmem>>, vector<1x16xf32>,
        %swap3A_417 = vector.shape_cast %swap3A_416 : vector<1x16xf32> to vector<16xf32>
        %swap3A_418 = vector.shape_cast %add3A_413 : vector<16xf32> to vector<1x16xf32>
        tpu.vector_store %arg10[%swap3A_414, %swap3A_415], %swap3A_418 {strides = array<i32>} : memref<100x64xf32, #tpu.memory_space<vmem>>, vector<1x16xf32>,
        %mul3A_419 = arith.constant 4 : i32
        %mul3A_420 = arith.muli %scan3A_240, %mul3A_419 : i32
        %add3A_421 = arith.constant 3 : i32
        %add3A_422 = arith.addi %mul3A_420, %add3A_421 : i32
        %get3A_423 = arith.index_cast %add3A_422 : i32 to index
        %get3A_424 = arith.constant 0 : index
        %get3A_425 = tpu.vector_load %arg10[%get3A_423, %get3A_424] {strides = array<i32>} : memref<100x64xf32, #tpu.memory_space<vmem>>, vector<1x16xf32>,
        %get3A_426 = vector.shape_cast %get3A_425 : vector<1x16xf32> to vector<16xf32>
        %get3A_427 = arith.index_cast %add3A_422 : i32 to index
        %get3A_428 = arith.constant 0 : index
        %get3A_429 = tpu.vector_load %arg7[%get3A_427, %get3A_428] {strides = array<i32>} : memref<100x64xf32, #tpu.memory_space<vmem>>, vector<1x16xf32>,
        %get3A_430 = vector.shape_cast %get3A_429 : vector<1x16xf32> to vector<16xf32>
        %add3A_431 = arith.addf %get3A_426, %get3A_430 : vector<16xf32>
        %swap3A_432 = arith.index_cast %add3A_422 : i32 to index
        %swap3A_433 = arith.constant 0 : index
        %swap3A_434 = tpu.vector_load %arg10[%swap3A_432, %swap3A_433] {strides = array<i32>} : memref<100x64xf32, #tpu.memory_space<vmem>>, vector<1x16xf32>,
        %swap3A_435 = vector.shape_cast %swap3A_434 : vector<1x16xf32> to vector<16xf32>
        %swap3A_436 = vector.shape_cast %add3A_431 : vector<16xf32> to vector<1x16xf32>
        tpu.vector_store %arg10[%swap3A_432, %swap3A_433], %swap3A_436 {strides = array<i32>} : memref<100x64xf32, #tpu.memory_space<vmem>>, vector<1x16xf32>,
        %get3A_437 = arith.index_cast %add3A_422 : i32 to index
        %get3A_438 = arith.constant 16 : index
        %get3A_439 = tpu.vector_load %arg10[%get3A_437, %get3A_438] {strides = array<i32>} : memref<100x64xf32, #tpu.memory_space<vmem>>, vector<1x16xf32>,
        %get3A_440 = vector.shape_cast %get3A_439 : vector<1x16xf32> to vector<16xf32>
        %get3A_441 = arith.index_cast %add3A_422 : i32 to index
        %get3A_442 = arith.constant 16 : index
        %get3A_443 = tpu.vector_load %arg7[%get3A_441, %get3A_442] {strides = array<i32>} : memref<100x64xf32, #tpu.memory_space<vmem>>, vector<1x16xf32>,
        %get3A_444 = vector.shape_cast %get3A_443 : vector<1x16xf32> to vector<16xf32>
        %add3A_445 = arith.addf %get3A_440, %get3A_444 : vector<16xf32>
        %swap3A_446 = arith.index_cast %add3A_422 : i32 to index
        %swap3A_447 = arith.constant 16 : index
        %swap3A_448 = tpu.vector_load %arg10[%swap3A_446, %swap3A_447] {strides = array<i32>} : memref<100x64xf32, #tpu.memory_space<vmem>>, vector<1x16xf32>,
        %swap3A_449 = vector.shape_cast %swap3A_448 : vector<1x16xf32> to vector<16xf32>
        %swap3A_450 = vector.shape_cast %add3A_445 : vector<16xf32> to vector<1x16xf32>
        tpu.vector_store %arg10[%swap3A_446, %swap3A_447], %swap3A_450 {strides = array<i32>} : memref<100x64xf32, #tpu.memory_space<vmem>>, vector<1x16xf32>,
        %get3A_451 = arith.index_cast %add3A_422 : i32 to index
        %get3A_452 = arith.constant 32 : index
        %get3A_453 = tpu.vector_load %arg10[%get3A_451, %get3A_452] {strides = array<i32>} : memref<100x64xf32, #tpu.memory_space<vmem>>, vector<1x16xf32>,
        %get3A_454 = vector.shape_cast %get3A_453 : vector<1x16xf32> to vector<16xf32>
        %get3A_455 = arith.index_cast %add3A_422 : i32 to index
        %get3A_456 = arith.constant 32 : index
        %get3A_457 = tpu.vector_load %arg7[%get3A_455, %get3A_456] {strides = array<i32>} : memref<100x64xf32, #tpu.memory_space<vmem>>, vector<1x16xf32>,
        %get3A_458 = vector.shape_cast %get3A_457 : vector<1x16xf32> to vector<16xf32>
        %add3A_459 = arith.addf %get3A_454, %get3A_458 : vector<16xf32>
        %swap3A_460 = arith.index_cast %add3A_422 : i32 to index
        %swap3A_461 = arith.constant 32 : index
        %swap3A_462 = tpu.vector_load %arg10[%swap3A_460, %swap3A_461] {strides = array<i32>} : memref<100x64xf32, #tpu.memory_space<vmem>>, vector<1x16xf32>,
        %swap3A_463 = vector.shape_cast %swap3A_462 : vector<1x16xf32> to vector<16xf32>
        %swap3A_464 = vector.shape_cast %add3A_459 : vector<16xf32> to vector<1x16xf32>
        tpu.vector_store %arg10[%swap3A_460, %swap3A_461], %swap3A_464 {strides = array<i32>} : memref<100x64xf32, #tpu.memory_space<vmem>>, vector<1x16xf32>,
        %get3A_465 = arith.index_cast %add3A_422 : i32 to index
        %get3A_466 = arith.constant 48 : index
        %get3A_467 = tpu.vector_load %arg10[%get3A_465, %get3A_466] {strides = array<i32>} : memref<100x64xf32, #tpu.memory_space<vmem>>, vector<1x16xf32>,
        %get3A_468 = vector.shape_cast %get3A_467 : vector<1x16xf32> to vector<16xf32>
        %get3A_469 = arith.index_cast %add3A_422 : i32 to index
        %get3A_470 = arith.constant 48 : index
        %get3A_471 = tpu.vector_load %arg7[%get3A_469, %get3A_470] {strides = array<i32>} : memref<100x64xf32, #tpu.memory_space<vmem>>, vector<1x16xf32>,
        %get3A_472 = vector.shape_cast %get3A_471 : vector<1x16xf32> to vector<16xf32>
        %add3A_473 = arith.addf %get3A_468, %get3A_472 : vector<16xf32>
        %swap3A_474 = arith.index_cast %add3A_422 : i32 to index
        %swap3A_475 = arith.constant 48 : index
        %swap3A_476 = tpu.vector_load %arg10[%swap3A_474, %swap3A_475] {strides = array<i32>} : memref<100x64xf32, #tpu.memory_space<vmem>>, vector<1x16xf32>,
        %swap3A_477 = vector.shape_cast %swap3A_476 : vector<1x16xf32> to vector<16xf32>
        %swap3A_478 = vector.shape_cast %add3A_473 : vector<16xf32> to vector<1x16xf32>
        tpu.vector_store %arg10[%swap3A_474, %swap3A_475], %swap3A_478 {strides = array<i32>} : memref<100x64xf32, #tpu.memory_space<vmem>>, vector<1x16xf32>,
      }
      %scan3A_125 = arith.constant 25 : i32
      %add3A_126 = arith.addi %mul3A_2, %mul3A_64 : i32
      %add3A_127 = arith.constant 2 : i32
      %add3A_128 = arith.addi %add3A_126, %add3A_127 : i32
      %dma_start3A_129 = arith.constant 0 : i32
      %dma_start3A_130 = arith.constant 0 : i32
      %dma_start3A_131 = tpu.memref_slice %arg5[%add3A_128, %dma_start3A_129, %dma_start3A_130] : memref<2048x100x64xf32, #tpu.memory_space<hbm>> -> memref<1x100x64xf32, #tpu.memory_space<hbm>>
      %dma_start3A_132 = tpu.memref_squeeze %dma_start3A_131 : memref<1x100x64xf32, #tpu.memory_space<hbm>> -> memref<100x64xf32, #tpu.memory_space<hbm>>
      %dma_start3A_133 = arith.constant 0 : i32
      %dma_start3A_134 = arith.constant 0 : i32
      %dma_start3A_135 = tpu.memref_slice %arg5[%add3A_128, %dma_start3A_133, %dma_start3A_134] : memref<2048x100x64xf32, #tpu.memory_space<hbm>> -> memref<1x100x64xf32, #tpu.memory_space<hbm>>
      %dma_start3A_136 = tpu.memref_squeeze %dma_start3A_135 : memref<1x100x64xf32, #tpu.memory_space<hbm>> -> memref<100x64xf32, #tpu.memory_space<hbm>>
      tpu.enqueue_dma source(%arg10 : memref<100x64xf32, #tpu.memory_space<vmem>>) target(%dma_start3A_136 : memref<100x64xf32, #tpu.memory_space<hbm>>) target_semaphore(%arg18 : memref<!tpu.dma_semaphore, #tpu.memory_space<semaphore_mem>>)
      %dma_wait3A_137 = arith.constant 0 : i32
      %dma_wait3A_138 = arith.constant 0 : i32
      %dma_wait3A_139 = tpu.memref_slice %arg6[%dma_wait3A_137, %dma_wait3A_138] : memref<64x100xi32, #tpu.memory_space<vmem>> -> memref<1x100xi32, #tpu.memory_space<vmem>>
      %dma_wait3A_140 = tpu.memref_squeeze %dma_wait3A_139 : memref<1x100xi32, #tpu.memory_space<vmem>> -> memref<100xi32, #tpu.memory_space<vmem>>
      %dma_wait3A_141 = arith.constant 0 : i32
      %dma_wait3A_142 = arith.constant 0 : i32
      %dma_wait3A_143 = tpu.memref_slice %arg2[%dma_wait3A_141, %dma_wait3A_142] : memref<1000000x64xf32, #tpu.memory_space<hbm>> -> memref<1000000x64xf32, #tpu.memory_space<hbm>>
      tpu.wait_indirect_dma semaphore(%arg15 : memref<!tpu.dma_semaphore, #tpu.memory_space<semaphore_mem>>) src(%dma_wait3A_143 : memref<1000000x64xf32, #tpu.memory_space<hbm>>) dst(%arg11 : memref<100x64xf32, #tpu.memory_space<vmem>>)
      %scan3A_144 = arith.constant 0 : i32
      %scan3A_145 = arith.constant 0 : i32
      %scan3A_146 = arith.constant 25 : i32
      %scan3A_147 = arith.addi %scan3A_145, %scan3A_146 : i32
      %scan3A_148 = arith.constant 1 : i32
      scf.for %scan3A_240 = %scan3A_145 to %scan3A_147 step %scan3A_148  : i32 {
        %mul3A_241 = arith.constant 4 : i32
        %mul3A_242 = arith.muli %scan3A_240, %mul3A_241 : i32
        %add3A_243 = arith.constant 0 : i32
        %add3A_244 = arith.addi %mul3A_242, %add3A_243 : i32
        %get3A = arith.index_cast %add3A_244 : i32 to index
        %get3A_245 = arith.constant 0 : index
        %get3A_246 = tpu.vector_load %arg11[%get3A, %get3A_245] {strides = array<i32>} : memref<100x64xf32, #tpu.memory_space<vmem>>, vector<1x16xf32>,
        %get3A_247 = vector.shape_cast %get3A_246 : vector<1x16xf32> to vector<16xf32>
        %get3A_248 = arith.index_cast %add3A_244 : i32 to index
        %get3A_249 = arith.constant 0 : index
        %get3A_250 = tpu.vector_load %arg7[%get3A_248, %get3A_249] {strides = array<i32>} : memref<100x64xf32, #tpu.memory_space<vmem>>, vector<1x16xf32>,
        %get3A_251 = vector.shape_cast %get3A_250 : vector<1x16xf32> to vector<16xf32>
        %add3A_252 = arith.addf %get3A_247, %get3A_251 : vector<16xf32>
        %swap3A = arith.index_cast %add3A_244 : i32 to index
        %swap3A_253 = arith.constant 0 : index
        %swap3A_254 = tpu.vector_load %arg11[%swap3A, %swap3A_253] {strides = array<i32>} : memref<100x64xf32, #tpu.memory_space<vmem>>, vector<1x16xf32>,
        %swap3A_255 = vector.shape_cast %swap3A_254 : vector<1x16xf32> to vector<16xf32>
        %swap3A_256 = vector.shape_cast %add3A_252 : vector<16xf32> to vector<1x16xf32>
        tpu.vector_store %arg11[%swap3A, %swap3A_253], %swap3A_256 {strides = array<i32>} : memref<100x64xf32, #tpu.memory_space<vmem>>, vector<1x16xf32>,
        %get3A_257 = arith.index_cast %add3A_244 : i32 to index
        %get3A_258 = arith.constant 16 : index
        %get3A_259 = tpu.vector_load %arg11[%get3A_257, %get3A_258] {strides = array<i32>} : memref<100x64xf32, #tpu.memory_space<vmem>>, vector<1x16xf32>,
        %get3A_260 = vector.shape_cast %get3A_259 : vector<1x16xf32> to vector<16xf32>
        %get3A_261 = arith.index_cast %add3A_244 : i32 to index
        %get3A_262 = arith.constant 16 : index
        %get3A_263 = tpu.vector_load %arg7[%get3A_261, %get3A_262] {strides = array<i32>} : memref<100x64xf32, #tpu.memory_space<vmem>>, vector<1x16xf32>,
        %get3A_264 = vector.shape_cast %get3A_263 : vector<1x16xf32> to vector<16xf32>
        %add3A_265 = arith.addf %get3A_260, %get3A_264 : vector<16xf32>
        %swap3A_266 = arith.index_cast %add3A_244 : i32 to index
        %swap3A_267 = arith.constant 16 : index
        %swap3A_268 = tpu.vector_load %arg11[%swap3A_266, %swap3A_267] {strides = array<i32>} : memref<100x64xf32, #tpu.memory_space<vmem>>, vector<1x16xf32>,
        %swap3A_269 = vector.shape_cast %swap3A_268 : vector<1x16xf32> to vector<16xf32>
        %swap3A_270 = vector.shape_cast %add3A_265 : vector<16xf32> to vector<1x16xf32>
        tpu.vector_store %arg11[%swap3A_266, %swap3A_267], %swap3A_270 {strides = array<i32>} : memref<100x64xf32, #tpu.memory_space<vmem>>, vector<1x16xf32>,
        %get3A_271 = arith.index_cast %add3A_244 : i32 to index
        %get3A_272 = arith.constant 32 : index
        %get3A_273 = tpu.vector_load %arg11[%get3A_271, %get3A_272] {strides = array<i32>} : memref<100x64xf32, #tpu.memory_space<vmem>>, vector<1x16xf32>,
        %get3A_274 = vector.shape_cast %get3A_273 : vector<1x16xf32> to vector<16xf32>
        %get3A_275 = arith.index_cast %add3A_244 : i32 to index
        %get3A_276 = arith.constant 32 : index
        %get3A_277 = tpu.vector_load %arg7[%get3A_275, %get3A_276] {strides = array<i32>} : memref<100x64xf32, #tpu.memory_space<vmem>>, vector<1x16xf32>,
        %get3A_278 = vector.shape_cast %get3A_277 : vector<1x16xf32> to vector<16xf32>
        %add3A_279 = arith.addf %get3A_274, %get3A_278 : vector<16xf32>
        %swap3A_280 = arith.index_cast %add3A_244 : i32 to index
        %swap3A_281 = arith.constant 32 : index
        %swap3A_282 = tpu.vector_load %arg11[%swap3A_280, %swap3A_281] {strides = array<i32>} : memref<100x64xf32, #tpu.memory_space<vmem>>, vector<1x16xf32>,
        %swap3A_283 = vector.shape_cast %swap3A_282 : vector<1x16xf32> to vector<16xf32>
        %swap3A_284 = vector.shape_cast %add3A_279 : vector<16xf32> to vector<1x16xf32>
        tpu.vector_store %arg11[%swap3A_280, %swap3A_281], %swap3A_284 {strides = array<i32>} : memref<100x64xf32, #tpu.memory_space<vmem>>, vector<1x16xf32>,
        %get3A_285 = arith.index_cast %add3A_244 : i32 to index
        %get3A_286 = arith.constant 48 : index
        %get3A_287 = tpu.vector_load %arg11[%get3A_285, %get3A_286] {strides = array<i32>} : memref<100x64xf32, #tpu.memory_space<vmem>>, vector<1x16xf32>,
        %get3A_288 = vector.shape_cast %get3A_287 : vector<1x16xf32> to vector<16xf32>
        %get3A_289 = arith.index_cast %add3A_244 : i32 to index
        %get3A_290 = arith.constant 48 : index
        %get3A_291 = tpu.vector_load %arg7[%get3A_289, %get3A_290] {strides = array<i32>} : memref<100x64xf32, #tpu.memory_space<vmem>>, vector<1x16xf32>,
        %get3A_292 = vector.shape_cast %get3A_291 : vector<1x16xf32> to vector<16xf32>
        %add3A_293 = arith.addf %get3A_288, %get3A_292 : vector<16xf32>
        %swap3A_294 = arith.index_cast %add3A_244 : i32 to index
        %swap3A_295 = arith.constant 48 : index
        %swap3A_296 = tpu.vector_load %arg11[%swap3A_294, %swap3A_295] {strides = array<i32>} : memref<100x64xf32, #tpu.memory_space<vmem>>, vector<1x16xf32>,
        %swap3A_297 = vector.shape_cast %swap3A_296 : vector<1x16xf32> to vector<16xf32>
        %swap3A_298 = vector.shape_cast %add3A_293 : vector<16xf32> to vector<1x16xf32>
        tpu.vector_store %arg11[%swap3A_294, %swap3A_295], %swap3A_298 {strides = array<i32>} : memref<100x64xf32, #tpu.memory_space<vmem>>, vector<1x16xf32>,
        %mul3A_299 = arith.constant 4 : i32
        %mul3A_300 = arith.muli %scan3A_240, %mul3A_299 : i32
        %add3A_301 = arith.constant 1 : i32
        %add3A_302 = arith.addi %mul3A_300, %add3A_301 : i32
        %get3A_303 = arith.index_cast %add3A_302 : i32 to index
        %get3A_304 = arith.constant 0 : index
        %get3A_305 = tpu.vector_load %arg11[%get3A_303, %get3A_304] {strides = array<i32>} : memref<100x64xf32, #tpu.memory_space<vmem>>, vector<1x16xf32>,
        %get3A_306 = vector.shape_cast %get3A_305 : vector<1x16xf32> to vector<16xf32>
        %get3A_307 = arith.index_cast %add3A_302 : i32 to index
        %get3A_308 = arith.constant 0 : index
        %get3A_309 = tpu.vector_load %arg7[%get3A_307, %get3A_308] {strides = array<i32>} : memref<100x64xf32, #tpu.memory_space<vmem>>, vector<1x16xf32>,
        %get3A_310 = vector.shape_cast %get3A_309 : vector<1x16xf32> to vector<16xf32>
        %add3A_311 = arith.addf %get3A_306, %get3A_310 : vector<16xf32>
        %swap3A_312 = arith.index_cast %add3A_302 : i32 to index
        %swap3A_313 = arith.constant 0 : index
        %swap3A_314 = tpu.vector_load %arg11[%swap3A_312, %swap3A_313] {strides = array<i32>} : memref<100x64xf32, #tpu.memory_space<vmem>>, vector<1x16xf32>,
        %swap3A_315 = vector.shape_cast %swap3A_314 : vector<1x16xf32> to vector<16xf32>
        %swap3A_316 = vector.shape_cast %add3A_311 : vector<16xf32> to vector<1x16xf32>
        tpu.vector_store %arg11[%swap3A_312, %swap3A_313], %swap3A_316 {strides = array<i32>} : memref<100x64xf32, #tpu.memory_space<vmem>>, vector<1x16xf32>,
        %get3A_317 = arith.index_cast %add3A_302 : i32 to index
        %get3A_318 = arith.constant 16 : index
        %get3A_319 = tpu.vector_load %arg11[%get3A_317, %get3A_318] {strides = array<i32>} : memref<100x64xf32, #tpu.memory_space<vmem>>, vector<1x16xf32>,
        %get3A_320 = vector.shape_cast %get3A_319 : vector<1x16xf32> to vector<16xf32>
        %get3A_321 = arith.index_cast %add3A_302 : i32 to index
        %get3A_322 = arith.constant 16 : index
        %get3A_323 = tpu.vector_load %arg7[%get3A_321, %get3A_322] {strides = array<i32>} : memref<100x64xf32, #tpu.memory_space<vmem>>, vector<1x16xf32>,
        %get3A_324 = vector.shape_cast %get3A_323 : vector<1x16xf32> to vector<16xf32>
        %add3A_325 = arith.addf %get3A_320, %get3A_324 : vector<16xf32>
        %swap3A_326 = arith.index_cast %add3A_302 : i32 to index
        %swap3A_327 = arith.constant 16 : index
        %swap3A_328 = tpu.vector_load %arg11[%swap3A_326, %swap3A_327] {strides = array<i32>} : memref<100x64xf32, #tpu.memory_space<vmem>>, vector<1x16xf32>,
        %swap3A_329 = vector.shape_cast %swap3A_328 : vector<1x16xf32> to vector<16xf32>
        %swap3A_330 = vector.shape_cast %add3A_325 : vector<16xf32> to vector<1x16xf32>
        tpu.vector_store %arg11[%swap3A_326, %swap3A_327], %swap3A_330 {strides = array<i32>} : memref<100x64xf32, #tpu.memory_space<vmem>>, vector<1x16xf32>,
        %get3A_331 = arith.index_cast %add3A_302 : i32 to index
        %get3A_332 = arith.constant 32 : index
        %get3A_333 = tpu.vector_load %arg11[%get3A_331, %get3A_332] {strides = array<i32>} : memref<100x64xf32, #tpu.memory_space<vmem>>, vector<1x16xf32>,
        %get3A_334 = vector.shape_cast %get3A_333 : vector<1x16xf32> to vector<16xf32>
        %get3A_335 = arith.index_cast %add3A_302 : i32 to index
        %get3A_336 = arith.constant 32 : index
        %get3A_337 = tpu.vector_load %arg7[%get3A_335, %get3A_336] {strides = array<i32>} : memref<100x64xf32, #tpu.memory_space<vmem>>, vector<1x16xf32>,
        %get3A_338 = vector.shape_cast %get3A_337 : vector<1x16xf32> to vector<16xf32>
        %add3A_339 = arith.addf %get3A_334, %get3A_338 : vector<16xf32>
        %swap3A_340 = arith.index_cast %add3A_302 : i32 to index
        %swap3A_341 = arith.constant 32 : index
        %swap3A_342 = tpu.vector_load %arg11[%swap3A_340, %swap3A_341] {strides = array<i32>} : memref<100x64xf32, #tpu.memory_space<vmem>>, vector<1x16xf32>,
        %swap3A_343 = vector.shape_cast %swap3A_342 : vector<1x16xf32> to vector<16xf32>
        %swap3A_344 = vector.shape_cast %add3A_339 : vector<16xf32> to vector<1x16xf32>
        tpu.vector_store %arg11[%swap3A_340, %swap3A_341], %swap3A_344 {strides = array<i32>} : memref<100x64xf32, #tpu.memory_space<vmem>>, vector<1x16xf32>,
        %get3A_345 = arith.index_cast %add3A_302 : i32 to index
        %get3A_346 = arith.constant 48 : index
        %get3A_347 = tpu.vector_load %arg11[%get3A_345, %get3A_346] {strides = array<i32>} : memref<100x64xf32, #tpu.memory_space<vmem>>, vector<1x16xf32>,
        %get3A_348 = vector.shape_cast %get3A_347 : vector<1x16xf32> to vector<16xf32>
        %get3A_349 = arith.index_cast %add3A_302 : i32 to index
        %get3A_350 = arith.constant 48 : index
        %get3A_351 = tpu.vector_load %arg7[%get3A_349, %get3A_350] {strides = array<i32>} : memref<100x64xf32, #tpu.memory_space<vmem>>, vector<1x16xf32>,
        %get3A_352 = vector.shape_cast %get3A_351 : vector<1x16xf32> to vector<16xf32>
        %add3A_353 = arith.addf %get3A_348, %get3A_352 : vector<16xf32>
        %swap3A_354 = arith.index_cast %add3A_302 : i32 to index
        %swap3A_355 = arith.constant 48 : index
        %swap3A_356 = tpu.vector_load %arg11[%swap3A_354, %swap3A_355] {strides = array<i32>} : memref<100x64xf32, #tpu.memory_space<vmem>>, vector<1x16xf32>,
        %swap3A_357 = vector.shape_cast %swap3A_356 : vector<1x16xf32> to vector<16xf32>
        %swap3A_358 = vector.shape_cast %add3A_353 : vector<16xf32> to vector<1x16xf32>
        tpu.vector_store %arg11[%swap3A_354, %swap3A_355], %swap3A_358 {strides = array<i32>} : memref<100x64xf32, #tpu.memory_space<vmem>>, vector<1x16xf32>,
        %mul3A_359 = arith.constant 4 : i32
        %mul3A_360 = arith.muli %scan3A_240, %mul3A_359 : i32
        %add3A_361 = arith.constant 2 : i32
        %add3A_362 = arith.addi %mul3A_360, %add3A_361 : i32
        %get3A_363 = arith.index_cast %add3A_362 : i32 to index
        %get3A_364 = arith.constant 0 : index
        %get3A_365 = tpu.vector_load %arg11[%get3A_363, %get3A_364] {strides = array<i32>} : memref<100x64xf32, #tpu.memory_space<vmem>>, vector<1x16xf32>,
        %get3A_366 = vector.shape_cast %get3A_365 : vector<1x16xf32> to vector<16xf32>
        %get3A_367 = arith.index_cast %add3A_362 : i32 to index
        %get3A_368 = arith.constant 0 : index
        %get3A_369 = tpu.vector_load %arg7[%get3A_367, %get3A_368] {strides = array<i32>} : memref<100x64xf32, #tpu.memory_space<vmem>>, vector<1x16xf32>,
        %get3A_370 = vector.shape_cast %get3A_369 : vector<1x16xf32> to vector<16xf32>
        %add3A_371 = arith.addf %get3A_366, %get3A_370 : vector<16xf32>
        %swap3A_372 = arith.index_cast %add3A_362 : i32 to index
        %swap3A_373 = arith.constant 0 : index
        %swap3A_374 = tpu.vector_load %arg11[%swap3A_372, %swap3A_373] {strides = array<i32>} : memref<100x64xf32, #tpu.memory_space<vmem>>, vector<1x16xf32>,
        %swap3A_375 = vector.shape_cast %swap3A_374 : vector<1x16xf32> to vector<16xf32>
        %swap3A_376 = vector.shape_cast %add3A_371 : vector<16xf32> to vector<1x16xf32>
        tpu.vector_store %arg11[%swap3A_372, %swap3A_373], %swap3A_376 {strides = array<i32>} : memref<100x64xf32, #tpu.memory_space<vmem>>, vector<1x16xf32>,
        %get3A_377 = arith.index_cast %add3A_362 : i32 to index
        %get3A_378 = arith.constant 16 : index
        %get3A_379 = tpu.vector_load %arg11[%get3A_377, %get3A_378] {strides = array<i32>} : memref<100x64xf32, #tpu.memory_space<vmem>>, vector<1x16xf32>,
        %get3A_380 = vector.shape_cast %get3A_379 : vector<1x16xf32> to vector<16xf32>
        %get3A_381 = arith.index_cast %add3A_362 : i32 to index
        %get3A_382 = arith.constant 16 : index
        %get3A_383 = tpu.vector_load %arg7[%get3A_381, %get3A_382] {strides = array<i32>} : memref<100x64xf32, #tpu.memory_space<vmem>>, vector<1x16xf32>,
        %get3A_384 = vector.shape_cast %get3A_383 : vector<1x16xf32> to vector<16xf32>
        %add3A_385 = arith.addf %get3A_380, %get3A_384 : vector<16xf32>
        %swap3A_386 = arith.index_cast %add3A_362 : i32 to index
        %swap3A_387 = arith.constant 16 : index
        %swap3A_388 = tpu.vector_load %arg11[%swap3A_386, %swap3A_387] {strides = array<i32>} : memref<100x64xf32, #tpu.memory_space<vmem>>, vector<1x16xf32>,
        %swap3A_389 = vector.shape_cast %swap3A_388 : vector<1x16xf32> to vector<16xf32>
        %swap3A_390 = vector.shape_cast %add3A_385 : vector<16xf32> to vector<1x16xf32>
        tpu.vector_store %arg11[%swap3A_386, %swap3A_387], %swap3A_390 {strides = array<i32>} : memref<100x64xf32, #tpu.memory_space<vmem>>, vector<1x16xf32>,
        %get3A_391 = arith.index_cast %add3A_362 : i32 to index
        %get3A_392 = arith.constant 32 : index
        %get3A_393 = tpu.vector_load %arg11[%get3A_391, %get3A_392] {strides = array<i32>} : memref<100x64xf32, #tpu.memory_space<vmem>>, vector<1x16xf32>,
        %get3A_394 = vector.shape_cast %get3A_393 : vector<1x16xf32> to vector<16xf32>
        %get3A_395 = arith.index_cast %add3A_362 : i32 to index
        %get3A_396 = arith.constant 32 : index
        %get3A_397 = tpu.vector_load %arg7[%get3A_395, %get3A_396] {strides = array<i32>} : memref<100x64xf32, #tpu.memory_space<vmem>>, vector<1x16xf32>,
        %get3A_398 = vector.shape_cast %get3A_397 : vector<1x16xf32> to vector<16xf32>
        %add3A_399 = arith.addf %get3A_394, %get3A_398 : vector<16xf32>
        %swap3A_400 = arith.index_cast %add3A_362 : i32 to index
        %swap3A_401 = arith.constant 32 : index
        %swap3A_402 = tpu.vector_load %arg11[%swap3A_400, %swap3A_401] {strides = array<i32>} : memref<100x64xf32, #tpu.memory_space<vmem>>, vector<1x16xf32>,
        %swap3A_403 = vector.shape_cast %swap3A_402 : vector<1x16xf32> to vector<16xf32>
        %swap3A_404 = vector.shape_cast %add3A_399 : vector<16xf32> to vector<1x16xf32>
        tpu.vector_store %arg11[%swap3A_400, %swap3A_401], %swap3A_404 {strides = array<i32>} : memref<100x64xf32, #tpu.memory_space<vmem>>, vector<1x16xf32>,
        %get3A_405 = arith.index_cast %add3A_362 : i32 to index
        %get3A_406 = arith.constant 48 : index
        %get3A_407 = tpu.vector_load %arg11[%get3A_405, %get3A_406] {strides = array<i32>} : memref<100x64xf32, #tpu.memory_space<vmem>>, vector<1x16xf32>,
        %get3A_408 = vector.shape_cast %get3A_407 : vector<1x16xf32> to vector<16xf32>
        %get3A_409 = arith.index_cast %add3A_362 : i32 to index
        %get3A_410 = arith.constant 48 : index
        %get3A_411 = tpu.vector_load %arg7[%get3A_409, %get3A_410] {strides = array<i32>} : memref<100x64xf32, #tpu.memory_space<vmem>>, vector<1x16xf32>,
        %get3A_412 = vector.shape_cast %get3A_411 : vector<1x16xf32> to vector<16xf32>
        %add3A_413 = arith.addf %get3A_408, %get3A_412 : vector<16xf32>
        %swap3A_414 = arith.index_cast %add3A_362 : i32 to index
        %swap3A_415 = arith.constant 48 : index
        %swap3A_416 = tpu.vector_load %arg11[%swap3A_414, %swap3A_415] {strides = array<i32>} : memref<100x64xf32, #tpu.memory_space<vmem>>, vector<1x16xf32>,
        %swap3A_417 = vector.shape_cast %swap3A_416 : vector<1x16xf32> to vector<16xf32>
        %swap3A_418 = vector.shape_cast %add3A_413 : vector<16xf32> to vector<1x16xf32>
        tpu.vector_store %arg11[%swap3A_414, %swap3A_415], %swap3A_418 {strides = array<i32>} : memref<100x64xf32, #tpu.memory_space<vmem>>, vector<1x16xf32>,
        %mul3A_419 = arith.constant 4 : i32
        %mul3A_420 = arith.muli %scan3A_240, %mul3A_419 : i32
        %add3A_421 = arith.constant 3 : i32
        %add3A_422 = arith.addi %mul3A_420, %add3A_421 : i32
        %get3A_423 = arith.index_cast %add3A_422 : i32 to index
        %get3A_424 = arith.constant 0 : index
        %get3A_425 = tpu.vector_load %arg11[%get3A_423, %get3A_424] {strides = array<i32>} : memref<100x64xf32, #tpu.memory_space<vmem>>, vector<1x16xf32>,
        %get3A_426 = vector.shape_cast %get3A_425 : vector<1x16xf32> to vector<16xf32>
        %get3A_427 = arith.index_cast %add3A_422 : i32 to index
        %get3A_428 = arith.constant 0 : index
        %get3A_429 = tpu.vector_load %arg7[%get3A_427, %get3A_428] {strides = array<i32>} : memref<100x64xf32, #tpu.memory_space<vmem>>, vector<1x16xf32>,
        %get3A_430 = vector.shape_cast %get3A_429 : vector<1x16xf32> to vector<16xf32>
        %add3A_431 = arith.addf %get3A_426, %get3A_430 : vector<16xf32>
        %swap3A_432 = arith.index_cast %add3A_422 : i32 to index
        %swap3A_433 = arith.constant 0 : index
        %swap3A_434 = tpu.vector_load %arg11[%swap3A_432, %swap3A_433] {strides = array<i32>} : memref<100x64xf32, #tpu.memory_space<vmem>>, vector<1x16xf32>,
        %swap3A_435 = vector.shape_cast %swap3A_434 : vector<1x16xf32> to vector<16xf32>
        %swap3A_436 = vector.shape_cast %add3A_431 : vector<16xf32> to vector<1x16xf32>
        tpu.vector_store %arg11[%swap3A_432, %swap3A_433], %swap3A_436 {strides = array<i32>} : memref<100x64xf32, #tpu.memory_space<vmem>>, vector<1x16xf32>,
        %get3A_437 = arith.index_cast %add3A_422 : i32 to index
        %get3A_438 = arith.constant 16 : index
        %get3A_439 = tpu.vector_load %arg11[%get3A_437, %get3A_438] {strides = array<i32>} : memref<100x64xf32, #tpu.memory_space<vmem>>, vector<1x16xf32>,
        %get3A_440 = vector.shape_cast %get3A_439 : vector<1x16xf32> to vector<16xf32>
        %get3A_441 = arith.index_cast %add3A_422 : i32 to index
        %get3A_442 = arith.constant 16 : index
        %get3A_443 = tpu.vector_load %arg7[%get3A_441, %get3A_442] {strides = array<i32>} : memref<100x64xf32, #tpu.memory_space<vmem>>, vector<1x16xf32>,
        %get3A_444 = vector.shape_cast %get3A_443 : vector<1x16xf32> to vector<16xf32>
        %add3A_445 = arith.addf %get3A_440, %get3A_444 : vector<16xf32>
        %swap3A_446 = arith.index_cast %add3A_422 : i32 to index
        %swap3A_447 = arith.constant 16 : index
        %swap3A_448 = tpu.vector_load %arg11[%swap3A_446, %swap3A_447] {strides = array<i32>} : memref<100x64xf32, #tpu.memory_space<vmem>>, vector<1x16xf32>,
        %swap3A_449 = vector.shape_cast %swap3A_448 : vector<1x16xf32> to vector<16xf32>
        %swap3A_450 = vector.shape_cast %add3A_445 : vector<16xf32> to vector<1x16xf32>
        tpu.vector_store %arg11[%swap3A_446, %swap3A_447], %swap3A_450 {strides = array<i32>} : memref<100x64xf32, #tpu.memory_space<vmem>>, vector<1x16xf32>,
        %get3A_451 = arith.index_cast %add3A_422 : i32 to index
        %get3A_452 = arith.constant 32 : index
        %get3A_453 = tpu.vector_load %arg11[%get3A_451, %get3A_452] {strides = array<i32>} : memref<100x64xf32, #tpu.memory_space<vmem>>, vector<1x16xf32>,
        %get3A_454 = vector.shape_cast %get3A_453 : vector<1x16xf32> to vector<16xf32>
        %get3A_455 = arith.index_cast %add3A_422 : i32 to index
        %get3A_456 = arith.constant 32 : index
        %get3A_457 = tpu.vector_load %arg7[%get3A_455, %get3A_456] {strides = array<i32>} : memref<100x64xf32, #tpu.memory_space<vmem>>, vector<1x16xf32>,
        %get3A_458 = vector.shape_cast %get3A_457 : vector<1x16xf32> to vector<16xf32>
        %add3A_459 = arith.addf %get3A_454, %get3A_458 : vector<16xf32>
        %swap3A_460 = arith.index_cast %add3A_422 : i32 to index
        %swap3A_461 = arith.constant 32 : index
        %swap3A_462 = tpu.vector_load %arg11[%swap3A_460, %swap3A_461] {strides = array<i32>} : memref<100x64xf32, #tpu.memory_space<vmem>>, vector<1x16xf32>,
        %swap3A_463 = vector.shape_cast %swap3A_462 : vector<1x16xf32> to vector<16xf32>
        %swap3A_464 = vector.shape_cast %add3A_459 : vector<16xf32> to vector<1x16xf32>
        tpu.vector_store %arg11[%swap3A_460, %swap3A_461], %swap3A_464 {strides = array<i32>} : memref<100x64xf32, #tpu.memory_space<vmem>>, vector<1x16xf32>,
        %get3A_465 = arith.index_cast %add3A_422 : i32 to index
        %get3A_466 = arith.constant 48 : index
        %get3A_467 = tpu.vector_load %arg11[%get3A_465, %get3A_466] {strides = array<i32>} : memref<100x64xf32, #tpu.memory_space<vmem>>, vector<1x16xf32>,
        %get3A_468 = vector.shape_cast %get3A_467 : vector<1x16xf32> to vector<16xf32>
        %get3A_469 = arith.index_cast %add3A_422 : i32 to index
        %get3A_470 = arith.constant 48 : index
        %get3A_471 = tpu.vector_load %arg7[%get3A_469, %get3A_470] {strides = array<i32>} : memref<100x64xf32, #tpu.memory_space<vmem>>, vector<1x16xf32>,
        %get3A_472 = vector.shape_cast %get3A_471 : vector<1x16xf32> to vector<16xf32>
        %add3A_473 = arith.addf %get3A_468, %get3A_472 : vector<16xf32>
        %swap3A_474 = arith.index_cast %add3A_422 : i32 to index
        %swap3A_475 = arith.constant 48 : index
        %swap3A_476 = tpu.vector_load %arg11[%swap3A_474, %swap3A_475] {strides = array<i32>} : memref<100x64xf32, #tpu.memory_space<vmem>>, vector<1x16xf32>,
        %swap3A_477 = vector.shape_cast %swap3A_476 : vector<1x16xf32> to vector<16xf32>
        %swap3A_478 = vector.shape_cast %add3A_473 : vector<16xf32> to vector<1x16xf32>
        tpu.vector_store %arg11[%swap3A_474, %swap3A_475], %swap3A_478 {strides = array<i32>} : memref<100x64xf32, #tpu.memory_space<vmem>>, vector<1x16xf32>,
      }
      %scan3A_149 = arith.constant 25 : i32
      %add3A_150 = arith.addi %mul3A_2, %mul3A_64 : i32
      %add3A_151 = arith.constant 3 : i32
      %add3A_152 = arith.addi %add3A_150, %add3A_151 : i32
      %dma_start3A_153 = arith.constant 0 : i32
      %dma_start3A_154 = arith.constant 0 : i32
      %dma_start3A_155 = tpu.memref_slice %arg5[%add3A_152, %dma_start3A_153, %dma_start3A_154] : memref<2048x100x64xf32, #tpu.memory_space<hbm>> -> memref<1x100x64xf32, #tpu.memory_space<hbm>>
      %dma_start3A_156 = tpu.memref_squeeze %dma_start3A_155 : memref<1x100x64xf32, #tpu.memory_space<hbm>> -> memref<100x64xf32, #tpu.memory_space<hbm>>
      %dma_start3A_157 = arith.constant 0 : i32
      %dma_start3A_158 = arith.constant 0 : i32
      %dma_start3A_159 = tpu.memref_slice %arg5[%add3A_152, %dma_start3A_157, %dma_start3A_158] : memref<2048x100x64xf32, #tpu.memory_space<hbm>> -> memref<1x100x64xf32, #tpu.memory_space<hbm>>
      %dma_start3A_160 = tpu.memref_squeeze %dma_start3A_159 : memref<1x100x64xf32, #tpu.memory_space<hbm>> -> memref<100x64xf32, #tpu.memory_space<hbm>>
      tpu.enqueue_dma source(%arg11 : memref<100x64xf32, #tpu.memory_space<vmem>>) target(%dma_start3A_160 : memref<100x64xf32, #tpu.memory_space<hbm>>) target_semaphore(%arg19 : memref<!tpu.dma_semaphore, #tpu.memory_space<semaphore_mem>>)
      %dma_wait3A_161 = arith.constant 0 : i32
      %dma_wait3A_162 = arith.constant 0 : i32
      %dma_wait3A_163 = tpu.memref_slice %arg5[%mul3A_2, %dma_wait3A_161, %dma_wait3A_162] : memref<2048x100x64xf32, #tpu.memory_space<hbm>> -> memref<1x100x64xf32, #tpu.memory_space<hbm>>
      %dma_wait3A_164 = tpu.memref_squeeze %dma_wait3A_163 : memref<1x100x64xf32, #tpu.memory_space<hbm>> -> memref<100x64xf32, #tpu.memory_space<hbm>>
      %dma_wait3A_165 = arith.constant 0 : i32
      %dma_wait3A_166 = arith.constant 0 : i32
      %dma_wait3A_167 = tpu.memref_slice %arg5[%mul3A_2, %dma_wait3A_165, %dma_wait3A_166] : memref<2048x100x64xf32, #tpu.memory_space<hbm>> -> memref<1x100x64xf32, #tpu.memory_space<hbm>>
      %dma_wait3A_168 = tpu.memref_squeeze %dma_wait3A_167 : memref<1x100x64xf32, #tpu.memory_space<hbm>> -> memref<100x64xf32, #tpu.memory_space<hbm>>
      tpu.wait_dma2 semaphore(%arg16 : memref<!tpu.dma_semaphore, #tpu.memory_space<semaphore_mem>>) src(%arg8 : memref<100x64xf32, #tpu.memory_space<vmem>>) dst(%dma_wait3A_168 : memref<100x64xf32, #tpu.memory_space<hbm>>)
      %add3A_169 = arith.constant 4 : i32
      %add3A_170 = arith.addi %mul3A_64, %add3A_169 : i32
      %add3A_171 = arith.constant 0 : i32
      %add3A_172 = arith.addi %add3A_170, %add3A_171 : i32
      %min3A = arith.constant 63 : i32
      %min3A_173 = arith.minsi %add3A_172, %min3A : i32
      %dma_start3A_174 = arith.constant 0 : i32
      %dma_start3A_175 = tpu.memref_slice %arg6[%min3A_173, %dma_start3A_174] : memref<64x100xi32, #tpu.memory_space<vmem>> -> memref<1x100xi32, #tpu.memory_space<vmem>>
      %dma_start3A_176 = tpu.memref_squeeze %dma_start3A_175 : memref<1x100xi32, #tpu.memory_space<vmem>> -> memref<100xi32, #tpu.memory_space<vmem>>
      %dma_start3A_177 = arith.constant 0 : i32
      %dma_start3A_178 = arith.constant 0 : i32
      %dma_start3A_179 = tpu.memref_slice %arg2[%dma_start3A_177, %dma_start3A_178] : memref<1000000x64xf32, #tpu.memory_space<hbm>> -> memref<1000000x64xf32, #tpu.memory_space<hbm>>
      tpu.enqueue_indirect_dma source(%dma_start3A_179 : memref<1000000x64xf32, #tpu.memory_space<hbm>>) target(%arg8 : memref<100x64xf32, #tpu.memory_space<vmem>>) offsets(%dma_start3A_176 : memref<100xi32, #tpu.memory_space<vmem>>) semaphore(%arg12 : memref<!tpu.dma_semaphore, #tpu.memory_space<semaphore_mem>>)
      %dma_wait3A_180 = arith.constant 0 : i32
      %dma_wait3A_181 = arith.constant 0 : i32
      %dma_wait3A_182 = tpu.memref_slice %arg5[%mul3A_2, %dma_wait3A_180, %dma_wait3A_181] : memref<2048x100x64xf32, #tpu.memory_space<hbm>> -> memref<1x100x64xf32, #tpu.memory_space<hbm>>
      %dma_wait3A_183 = tpu.memref_squeeze %dma_wait3A_182 : memref<1x100x64xf32, #tpu.memory_space<hbm>> -> memref<100x64xf32, #tpu.memory_space<hbm>>
      %dma_wait3A_184 = arith.constant 0 : i32
      %dma_wait3A_185 = arith.constant 0 : i32
      %dma_wait3A_186 = tpu.memref_slice %arg5[%mul3A_2, %dma_wait3A_184, %dma_wait3A_185] : memref<2048x100x64xf32, #tpu.memory_space<hbm>> -> memref<1x100x64xf32, #tpu.memory_space<hbm>>
      %dma_wait3A_187 = tpu.memref_squeeze %dma_wait3A_186 : memref<1x100x64xf32, #tpu.memory_space<hbm>> -> memref<100x64xf32, #tpu.memory_space<hbm>>
      tpu.wait_dma2 semaphore(%arg17 : memref<!tpu.dma_semaphore, #tpu.memory_space<semaphore_mem>>) src(%arg9 : memref<100x64xf32, #tpu.memory_space<vmem>>) dst(%dma_wait3A_187 : memref<100x64xf32, #tpu.memory_space<hbm>>)
      %add3A_188 = arith.constant 4 : i32
      %add3A_189 = arith.addi %mul3A_64, %add3A_188 : i32
      %add3A_190 = arith.constant 1 : i32
      %add3A_191 = arith.addi %add3A_189, %add3A_190 : i32
      %min3A_192 = arith.constant 63 : i32
      %min3A_193 = arith.minsi %add3A_191, %min3A_192 : i32
      %dma_start3A_194 = arith.constant 0 : i32
      %dma_start3A_195 = tpu.memref_slice %arg6[%min3A_193, %dma_start3A_194] : memref<64x100xi32, #tpu.memory_space<vmem>> -> memref<1x100xi32, #tpu.memory_space<vmem>>
      %dma_start3A_196 = tpu.memref_squeeze %dma_start3A_195 : memref<1x100xi32, #tpu.memory_space<vmem>> -> memref<100xi32, #tpu.memory_space<vmem>>
      %dma_start3A_197 = arith.constant 0 : i32
      %dma_start3A_198 = arith.constant 0 : i32
      %dma_start3A_199 = tpu.memref_slice %arg2[%dma_start3A_197, %dma_start3A_198] : memref<1000000x64xf32, #tpu.memory_space<hbm>> -> memref<1000000x64xf32, #tpu.memory_space<hbm>>
      tpu.enqueue_indirect_dma source(%dma_start3A_199 : memref<1000000x64xf32, #tpu.memory_space<hbm>>) target(%arg9 : memref<100x64xf32, #tpu.memory_space<vmem>>) offsets(%dma_start3A_196 : memref<100xi32, #tpu.memory_space<vmem>>) semaphore(%arg13 : memref<!tpu.dma_semaphore, #tpu.memory_space<semaphore_mem>>)
      %dma_wait3A_200 = arith.constant 0 : i32
      %dma_wait3A_201 = arith.constant 0 : i32
      %dma_wait3A_202 = tpu.memref_slice %arg5[%mul3A_2, %dma_wait3A_200, %dma_wait3A_201] : memref<2048x100x64xf32, #tpu.memory_space<hbm>> -> memref<1x100x64xf32, #tpu.memory_space<hbm>>
      %dma_wait3A_203 = tpu.memref_squeeze %dma_wait3A_202 : memref<1x100x64xf32, #tpu.memory_space<hbm>> -> memref<100x64xf32, #tpu.memory_space<hbm>>
      %dma_wait3A_204 = arith.constant 0 : i32
      %dma_wait3A_205 = arith.constant 0 : i32
      %dma_wait3A_206 = tpu.memref_slice %arg5[%mul3A_2, %dma_wait3A_204, %dma_wait3A_205] : memref<2048x100x64xf32, #tpu.memory_space<hbm>> -> memref<1x100x64xf32, #tpu.memory_space<hbm>>
      %dma_wait3A_207 = tpu.memref_squeeze %dma_wait3A_206 : memref<1x100x64xf32, #tpu.memory_space<hbm>> -> memref<100x64xf32, #tpu.memory_space<hbm>>
      tpu.wait_dma2 semaphore(%arg18 : memref<!tpu.dma_semaphore, #tpu.memory_space<semaphore_mem>>) src(%arg10 : memref<100x64xf32, #tpu.memory_space<vmem>>) dst(%dma_wait3A_207 : memref<100x64xf32, #tpu.memory_space<hbm>>)
      %add3A_208 = arith.constant 4 : i32
      %add3A_209 = arith.addi %mul3A_64, %add3A_208 : i32
      %add3A_210 = arith.constant 2 : i32
      %add3A_211 = arith.addi %add3A_209, %add3A_210 : i32
      %min3A_212 = arith.constant 63 : i32
      %min3A_213 = arith.minsi %add3A_211, %min3A_212 : i32
      %dma_start3A_214 = arith.constant 0 : i32
      %dma_start3A_215 = tpu.memref_slice %arg6[%min3A_213, %dma_start3A_214] : memref<64x100xi32, #tpu.memory_space<vmem>> -> memref<1x100xi32, #tpu.memory_space<vmem>>
      %dma_start3A_216 = tpu.memref_squeeze %dma_start3A_215 : memref<1x100xi32, #tpu.memory_space<vmem>> -> memref<100xi32, #tpu.memory_space<vmem>>
      %dma_start3A_217 = arith.constant 0 : i32
      %dma_start3A_218 = arith.constant 0 : i32
      %dma_start3A_219 = tpu.memref_slice %arg2[%dma_start3A_217, %dma_start3A_218] : memref<1000000x64xf32, #tpu.memory_space<hbm>> -> memref<1000000x64xf32, #tpu.memory_space<hbm>>
      tpu.enqueue_indirect_dma source(%dma_start3A_219 : memref<1000000x64xf32, #tpu.memory_space<hbm>>) target(%arg10 : memref<100x64xf32, #tpu.memory_space<vmem>>) offsets(%dma_start3A_216 : memref<100xi32, #tpu.memory_space<vmem>>) semaphore(%arg14 : memref<!tpu.dma_semaphore, #tpu.memory_space<semaphore_mem>>)
      %dma_wait3A_220 = arith.constant 0 : i32
      %dma_wait3A_221 = arith.constant 0 : i32
      %dma_wait3A_222 = tpu.memref_slice %arg5[%mul3A_2, %dma_wait3A_220, %dma_wait3A_221] : memref<2048x100x64xf32, #tpu.memory_space<hbm>> -> memref<1x100x64xf32, #tpu.memory_space<hbm>>
      %dma_wait3A_223 = tpu.memref_squeeze %dma_wait3A_222 : memref<1x100x64xf32, #tpu.memory_space<hbm>> -> memref<100x64xf32, #tpu.memory_space<hbm>>
      %dma_wait3A_224 = arith.constant 0 : i32
      %dma_wait3A_225 = arith.constant 0 : i32
      %dma_wait3A_226 = tpu.memref_slice %arg5[%mul3A_2, %dma_wait3A_224, %dma_wait3A_225] : memref<2048x100x64xf32, #tpu.memory_space<hbm>> -> memref<1x100x64xf32, #tpu.memory_space<hbm>>
      %dma_wait3A_227 = tpu.memref_squeeze %dma_wait3A_226 : memref<1x100x64xf32, #tpu.memory_space<hbm>> -> memref<100x64xf32, #tpu.memory_space<hbm>>
      tpu.wait_dma2 semaphore(%arg19 : memref<!tpu.dma_semaphore, #tpu.memory_space<semaphore_mem>>) src(%arg11 : memref<100x64xf32, #tpu.memory_space<vmem>>) dst(%dma_wait3A_227 : memref<100x64xf32, #tpu.memory_space<hbm>>)
      %add3A_228 = arith.constant 4 : i32
      %add3A_229 = arith.addi %mul3A_64, %add3A_228 : i32
      %add3A_230 = arith.constant 3 : i32
      %add3A_231 = arith.addi %add3A_229, %add3A_230 : i32
      %min3A_232 = arith.constant 63 : i32
      %min3A_233 = arith.minsi %add3A_231, %min3A_232 : i32
      %dma_start3A_234 = arith.constant 0 : i32
      %dma_start3A_235 = tpu.memref_slice %arg6[%min3A_233, %dma_start3A_234] : memref<64x100xi32, #tpu.memory_space<vmem>> -> memref<1x100xi32, #tpu.memory_space<vmem>>
      %dma_start3A_236 = tpu.memref_squeeze %dma_start3A_235 : memref<1x100xi32, #tpu.memory_space<vmem>> -> memref<100xi32, #tpu.memory_space<vmem>>
      %dma_start3A_237 = arith.constant 0 : i32
      %dma_start3A_238 = arith.constant 0 : i32
      %dma_start3A_239 = tpu.memref_slice %arg2[%dma_start3A_237, %dma_start3A_238] : memref<1000000x64xf32, #tpu.memory_space<hbm>> -> memref<1000000x64xf32, #tpu.memory_space<hbm>>
      tpu.enqueue_indirect_dma source(%dma_start3A_239 : memref<1000000x64xf32, #tpu.memory_space<hbm>>) target(%arg11 : memref<100x64xf32, #tpu.memory_space<vmem>>) offsets(%dma_start3A_236 : memref<100xi32, #tpu.memory_space<vmem>>) semaphore(%arg15 : memref<!tpu.dma_semaphore, #tpu.memory_space<semaphore_mem>>)
    }
    %scan3A_34 = arith.constant 16 : i32
    %dma_wait3A = arith.constant 0 : i32
    %dma_wait3A_35 = arith.constant 0 : i32
    %dma_wait3A_36 = tpu.memref_slice %arg6[%dma_wait3A, %dma_wait3A_35] : memref<64x100xi32, #tpu.memory_space<vmem>> -> memref<1x100xi32, #tpu.memory_space<vmem>>
    %dma_wait3A_37 = tpu.memref_squeeze %dma_wait3A_36 : memref<1x100xi32, #tpu.memory_space<vmem>> -> memref<100xi32, #tpu.memory_space<vmem>>
    %dma_wait3A_38 = arith.constant 0 : i32
    %dma_wait3A_39 = arith.constant 0 : i32
    %dma_wait3A_40 = tpu.memref_slice %arg2[%dma_wait3A_38, %dma_wait3A_39] : memref<1000000x64xf32, #tpu.memory_space<hbm>> -> memref<1000000x64xf32, #tpu.memory_space<hbm>>
    tpu.wait_indirect_dma semaphore(%arg12 : memref<!tpu.dma_semaphore, #tpu.memory_space<semaphore_mem>>) src(%dma_wait3A_40 : memref<1000000x64xf32, #tpu.memory_space<hbm>>) dst(%arg8 : memref<100x64xf32, #tpu.memory_space<vmem>>)
    %dma_wait3A_41 = arith.constant 0 : i32
    %dma_wait3A_42 = arith.constant 0 : i32
    %dma_wait3A_43 = tpu.memref_slice %arg6[%dma_wait3A_41, %dma_wait3A_42] : memref<64x100xi32, #tpu.memory_space<vmem>> -> memref<1x100xi32, #tpu.memory_space<vmem>>
    %dma_wait3A_44 = tpu.memref_squeeze %dma_wait3A_43 : memref<1x100xi32, #tpu.memory_space<vmem>> -> memref<100xi32, #tpu.memory_space<vmem>>
    %dma_wait3A_45 = arith.constant 0 : i32
    %dma_wait3A_46 = arith.constant 0 : i32
    %dma_wait3A_47 = tpu.memref_slice %arg2[%dma_wait3A_45, %dma_wait3A_46] : memref<1000000x64xf32, #tpu.memory_space<hbm>> -> memref<1000000x64xf32, #tpu.memory_space<hbm>>
    tpu.wait_indirect_dma semaphore(%arg13 : memref<!tpu.dma_semaphore, #tpu.memory_space<semaphore_mem>>) src(%dma_wait3A_47 : memref<1000000x64xf32, #tpu.memory_space<hbm>>) dst(%arg9 : memref<100x64xf32, #tpu.memory_space<vmem>>)
    %dma_wait3A_48 = arith.constant 0 : i32
    %dma_wait3A_49 = arith.constant 0 : i32
    %dma_wait3A_50 = tpu.memref_slice %arg6[%dma_wait3A_48, %dma_wait3A_49] : memref<64x100xi32, #tpu.memory_space<vmem>> -> memref<1x100xi32, #tpu.memory_space<vmem>>
    %dma_wait3A_51 = tpu.memref_squeeze %dma_wait3A_50 : memref<1x100xi32, #tpu.memory_space<vmem>> -> memref<100xi32, #tpu.memory_space<vmem>>
    %dma_wait3A_52 = arith.constant 0 : i32
    %dma_wait3A_53 = arith.constant 0 : i32
    %dma_wait3A_54 = tpu.memref_slice %arg2[%dma_wait3A_52, %dma_wait3A_53] : memref<1000000x64xf32, #tpu.memory_space<hbm>> -> memref<1000000x64xf32, #tpu.memory_space<hbm>>
    tpu.wait_indirect_dma semaphore(%arg14 : memref<!tpu.dma_semaphore, #tpu.memory_space<semaphore_mem>>) src(%dma_wait3A_54 : memref<1000000x64xf32, #tpu.memory_space<hbm>>) dst(%arg10 : memref<100x64xf32, #tpu.memory_space<vmem>>)
    %dma_wait3A_55 = arith.constant 0 : i32
    %dma_wait3A_56 = arith.constant 0 : i32
    %dma_wait3A_57 = tpu.memref_slice %arg6[%dma_wait3A_55, %dma_wait3A_56] : memref<64x100xi32, #tpu.memory_space<vmem>> -> memref<1x100xi32, #tpu.memory_space<vmem>>
    %dma_wait3A_58 = tpu.memref_squeeze %dma_wait3A_57 : memref<1x100xi32, #tpu.memory_space<vmem>> -> memref<100xi32, #tpu.memory_space<vmem>>
    %dma_wait3A_59 = arith.constant 0 : i32
    %dma_wait3A_60 = arith.constant 0 : i32
    %dma_wait3A_61 = tpu.memref_slice %arg2[%dma_wait3A_59, %dma_wait3A_60] : memref<1000000x64xf32, #tpu.memory_space<hbm>> -> memref<1000000x64xf32, #tpu.memory_space<hbm>>
    tpu.wait_indirect_dma semaphore(%arg15 : memref<!tpu.dma_semaphore, #tpu.memory_space<semaphore_mem>>) src(%dma_wait3A_61 : memref<1000000x64xf32, #tpu.memory_space<hbm>>) dst(%arg11 : memref<100x64xf32, #tpu.memory_space<vmem>>)
    return
  }
}

</mosaic_0001>

<sc_bundles>
// kernel: kernel.3.cloned.1.call-start
scs
__scs_entry_jumppad:
0x0: {  	(pc) =	sbr.rel $0x88, $3  }
0x1: {  	(tag) =	ssettag $0x0;
	lr =	simm.s32 $0x1  }
0x2: {  	[smem:$0x3F9F] =	sst lr;
	_ =	strace $0xD0000000  }
0x3: {  	_ = 	snop  }
0x4: {  	_ = 	snop  }
0x5: {  	_ = 	snop  }
0x6: {  	_ = 	snop  }
0x7: {  	_ = 	snop  }
__scs_overlays_trampoline_lowered:
0x8: {  	[smem:$0x3FAE] =	sst s0  }
0x9: {  	[smem:$0x3FAF] =	sst s1  }
0xa: {  	[smem:$0x3FB0] =	sst s2  }
0xb: {  	[smem:$0x3FB1] =	sst s3  }
0xc: {  	[smem:$0x3FB2] =	sst s4  }
0xd: {  	[smem:$0x3FB3] =	sst s5  }
0xe: {  	[smem:$0x3FB4] =	sst s6  }
0xf: {  	[smem:$0x3FB5] =	sst s7  }
0x10: {  	[smem:$0x3FB6] =	sst s8  }
0x11: {  	[smem:$0x3FB7] =	sst s9;
	s0 =	simm.s32 @!p0 $0x0  }
0x12: {  	s1 =	sld [smem:$0x3F9D];
	s0 =	simm.s32 @p0 $0x1  }
0x13: {  	[smem:$0x3FB8] =	sst s0;
	s0 =	simm.s32 @!p1 $0x0  }
0x14: {  	s2 =	sld [smem:$0x3F9C];
	s0 =	simm.s32 @p1 $0x1  }
0x15: {  	[smem:$0x3FB9] =	sst s0;
	s0 =	simm.s32 @!p2 $0x0  }
0x16: {  	s3 =	sld [smem:$0x3FDB];
	s0 =	simm.s32 @p2 $0x1  }
0x17: {  	s4 =	simm.s32 $0x1BF5;
	[smem:$0x3FBB] =	sst s0  }
0x18: {  	s0 =	sld [smem:$0x3F9E];
	_ =	swait.ge [sflag:s4], $0x0  }
0x19: {  	s7 =	sld [smem:$0x3F9F]  }
0x1a: {  	s8 =	sadd.s32 $0xFFFFE003, lr  }
0x1b: {  	s9 =	sadd.s32 $0xFFFFFEF7, lr;
	s5 =	simm.s32 $0xFFFFFFFF;
	p2 =	slt.u32 s8, $0xFFFFF086  }
0x1c: {  	p1 =	slt.u32 s9, $0xF7A;
	s5 =	simm.s32 @!p2 $0x0  }
0x1d: {  	s5 =	simm.s32 @p1 $0x1;
	p0 =	seq.s32 s7, s2  }
0x1e: {  	s7 =	smul.u32 @!p0 $0xF7A, s2;
	p2 =	seq.s32 @!p0 s5, $0x0  }
0x1f: {  	s9 =	smul.u32 $0xF7A, s1;
	s8 =	simm.s32 @!p0 $0x1BF5;
	p2 =	por !p2, p0  }
0x20: {  	[sflag:s8] =	ssyncset.s32 @!p0 $0xFFFFF086;
	s6 =	sadd.s32 @!p0 s3, s7;
	s7 =	simm.s32 @!p0 $0x108  }
0x21: {  	s3 =	sadd.s32 s3, s9;
	s6 =	sadd.s32 @!p0 $0x88, s6;
	s7 =	simm.s32 @p2 $0x1082  }
0x22: {  	[simem:s7], [sflag:s8] =	dma.local @!p0 [hbm:s6], $0xF7A  }
0x23: {  	s9 =	sor.u32 $0xD0000000, s2;
	s6 =	simm.s32 $0x108;
	_ =	swait.ge @!p0 [sflag:s8], $0x0  }
0x24: {  	s3 =	sadd.s32 $0x88, s3;
	s6 =	simm.s32 @!p1 $0x1082;
	[sflag:s4] =	ssyncset.s32 $0xFFFFF086  }
0x25: {  	[simem:s6], [sflag:s4] =	dma.local [hbm:s3], $0xF7A  }
0x26: {  	[smem:$0x3F9F] =	sst s1;
	(tag) =	ssettag s2;
	_ =	strace s9  }
0x27: {  	s1 =	sld [smem:$0x3FAF]  }
0x28: {  	s2 =	sld [smem:$0x3FB0]  }
0x29: {  	s4 =	sld [smem:$0x3FB2]  }
0x2a: {  	p0 =	seq.s32 s5, $0x0;
	s5 =	sld [smem:$0x3FB3]  }
0x2b: {  	s6 =	sld [smem:$0x3FB4]  }
0x2c: {  	s7 =	sld [smem:$0x3FB5]  }
0x2d: {  	s3 =	simm.s32 $0x108;
	s8 =	sld [smem:$0x3FB6]  }
0x2e: {  	s3 =	simm.s32 @!p0 $0x1082;
	s9 =	sld [smem:$0x3FB7]  }
0x2f: {  	lr =	sadd.s32 s0, s3;
	s0 =	sld [smem:$0x3FAE]  }
0x30: {  	s3 =	sld [smem:$0x3FB1]  }
0x31: {  	[smem:$0x3FBA] =	sst s10  }
0x32: {  	s10 =	sld [smem:$0x3FB8];
	_ =	sdelay $0x3  }
0x33: {  	p0 =	seq.s32 s10, $0x1;
	s10 =	sld [smem:$0x3FBA];
	_ =	sdelay $0x3  }
0x34: {  	[smem:$0x3FBA] =	sst s10  }
0x35: {  	s10 =	sld [smem:$0x3FB9];
	_ =	sdelay $0x3  }
0x36: {  	p1 =	seq.s32 s10, $0x1;
	s10 =	sld [smem:$0x3FBA];
	_ =	sdelay $0x3  }
0x37: {  	[smem:$0x3FBA] =	sst s10  }
0x38: {  	s10 =	sld [smem:$0x3FBB]  }
0x39: {  	_ = 	snop;
	(pc) =	sbr.ind lr, $3  }
0x3a: {  	_ = 	snop  }
0x3b: {  	_ = 	snop  }
0x3c: {  	p2 =	seq.s32 s10, $0x1;
	s10 =	sld [smem:$0x3FBA]  }
0x3d: {  	_ =	shalt  }
0x3e: {  	_ =	shalt  }
0x3f: {  	_ =	shalt  }
0x40: {  	_ =	shalt  }
0x41: {  	_ =	shalt  }
0x42: {  	_ =	shalt  }
0x43: {  	_ =	shalt  }
0x44: {  	_ =	shalt  }
0x45: {  	_ =	shalt  }
0x46: {  	_ =	shalt  }
0x47: {  	_ =	shalt  }
0x48: {  	_ =	shalt  }
0x49: {  	_ =	shalt  }
0x4a: {  	_ =	shalt  }
0x4b: {  	_ =	shalt  }
0x4c: {  	_ =	shalt  }
0x4d: {  	_ =	shalt  }
0x4e: {  	_ =	shalt  }
0x4f: {  	_ =	shalt  }
0x50: {  	_ =	shalt  }
0x51: {  	_ =	shalt  }
0x52: {  	_ =	shalt  }
0x53: {  	_ =	shalt  }
0x54: {  	_ =	shalt  }
0x55: {  	_ =	shalt  }
0x56: {  	_ =	shalt  }
0x57: {  	_ =	shalt  }
0x58: {  	_ =	shalt  }
0x59: {  	_ =	shalt  }
0x5a: {  	_ =	shalt  }
0x5b: {  	_ =	shalt  }
0x5c: {  	_ =	shalt  }
0x5d: {  	_ =	shalt  }
0x5e: {  	_ =	shalt  }
0x5f: {  	_ =	shalt  }
0x60: {  	_ =	shalt  }
0x61: {  	_ =	shalt  }
0x62: {  	_ =	shalt  }
0x63: {  	_ =	shalt  }
0x64: {  	_ =	shalt  }
0x65: {  	_ =	shalt  }
0x66: {  	_ =	shalt  }
0x67: {  	_ =	shalt  }
0x68: {  	_ =	shalt  }
0x69: {  	_ =	shalt  }
0x6a: {  	_ =	shalt  }
0x6b: {  	_ =	shalt  }
0x6c: {  	_ =	shalt  }
0x6d: {  	_ =	shalt  }
0x6e: {  	_ =	shalt  }
0x6f: {  	_ =	shalt  }
0x70: {  	_ =	shalt  }
0x71: {  	_ =	shalt  }
0x72: {  	_ =	shalt  }
0x73: {  	_ =	shalt  }
0x74: {  	_ =	shalt  }
0x75: {  	_ =	shalt  }
0x76: {  	_ =	shalt  }
0x77: {  	_ =	shalt  }
0x78: {  	_ =	shalt  }
0x79: {  	_ =	shalt  }
0x7a: {  	_ =	shalt  }
0x7b: {  	_ =	shalt  }
0x7c: {  	_ =	shalt  }
0x7d: {  	_ =	shalt  }
0x7e: {  	_ =	shalt  }
0x7f: {  	_ =	shalt  }
0x80: {  	_ =	shalt  }
0x81: {  	_ =	shalt  }
0x82: {  	_ =	shalt  }
0x83: {  	_ =	shalt  }
0x84: {  	_ =	shalt  }
0x85: {  	_ =	shalt  }
0x86: {  	_ =	shalt  }
0x87: {  	_ =	shalt  }
.Lfunc_end0:
.L_simem_size_0:
called_computation.1_lowered:
.L_overlay_start_0:
0x88: {  	s2 =	sld [smem:$0x3FD9]  }
0x89: {  	s3 =	sld [smem:$0x3FFE];
	_ =	sdelay $0x1  }
0x8a: {  	s1 =	srdreg.scid  }
0x8b: {  	s0 =	sand.u32 $0x1, s1  }
0x8c: {  	s17 =	sshll.u32 s0, $0xA;
	s2 =	sadd.s32 s3, s2  }
0x8d: {  	s2 =	sadd.s32 s2, s17  }
0x8e: {  	[smem:$0x3FC6] =	sst s2  }
0x8f: {  	_ = 	snop  }
0x90: {  	s2 =	sld [smem:$0x3FD0];
	(tm) =	ssettm $0x1  }
0x91: {  	s18 =	sld [smem:$0x3FFB];
	_ =	sdelay $0x3  }
0x92: {  	_ =	strace s18  }
0x93: {  	s3 =	sld [smem:$0x3FFC];
	_ =	sdelay $0x3  }
0x94: {  	_ =	strace s3  }
0x95: {  	s3 =	sld [smem:$0x3FFD];
	_ =	sdelay $0x3  }
0x96: {  	_ =	strace s3  }
0x97: {  	_ =	strace $0x8FFFFFFF  }
0x98: {  	s19 =	sld [smem:$0x3FDB];
	_ =	sdelay $0x1  }
0x99: {  	s4 =	simm.s32 $_scs_section_size  }
0x9a: {  	s5 =	simm.s32 $_size__tile_overlayer_lowered;
	s6 =	simm.s32 $_tile_overlayer_lowered  }
0x9b: {  	s22 =	simm.s32 $0x1BFF;
	s21 =	sshll.u32 s6, $0x1;
	s3 =	sadd.s32 s4, s19  }
0x9c: {  	s7 =	simm.s32 $0x0;
	s20 =	sshll.u32 s5, $0x1;
	s5 =	sadd.s32 s21, s3  }
0x9d: {  	[timem:s7], [sflag:s22] =	dma.local [hbm:s5], s20  }
0x9e: {  	_ =	swait.ge [sflag:s22], s20  }
0x9f: {  	s4 =	ssub.s32 $0x0, s20;
	[sflag:s22] =	ssyncset.done $0x0  }
0xa0: {  	[sflag:s22] =	ssyncadd.s32 s4;
	_ =	sdelay $0x1  }
0xa1: {  	s23 =	simm.s32 $0x1B8B  }
0xa2: {  	_ =	swait.ge [sflag:s23], $0x1  }
0xa3: {  	[sflag:s23] =	ssyncset.done $0x0  }
0xa4: {  	s25 =	simm.s32 $0x1B8E;
	s24 =	sld [smem:$0x3FFE];
	[sflag:s23] =	ssyncadd.s32 $0xFFFFFFFF  }
0xa5: {  	s26 =	simm.s32 $execute0_lowered;
	[smem:$0x3FD2] =	sst s25  }
0xa6: {  	s5 =	sshll.u32 s26, $0x1;
	_ =	strace $0x80000046;
	[dreg:$0x1] =	wrdreg $0xFFFFFFFF  }
0xa7: {  	s28 =	simm.s32 $_size_execute0_lowered;
	s3 =	sadd.s32 s3, s5;
	[dreg:$0x0] =	wrdreg $0x0  }
0xa8: {  	s5 =	sshll.u32 s28, $0x1;
	[dreg:$0x2] =	wrdreg s3  }
0xa9: {  	[dreg:$0x3] =	wrdreg s5  }
0xaa: {  	[dreg:$0x4] =	wrdreg $0xC0  }
0xab: {  	_ =	task [dreg:s7], $0x5FFFF  }
0xac: {  	[dreg:$0x1] =	wrdreg $0xFFFFFFFF  }
0xad: {  	[dreg:$0x0] =	wrdreg $0x60  }
0xae: {  	[dreg:$0x2] =	wrdreg s24  }
0xaf: {  	[dreg:$0x3] =	wrdreg s2  }
0xb0: {  	[dreg:$0x4] =	wrdreg $0x9  }
0xb1: {  	_ =	task.clear_ibuf [dreg:s7], $0x5FFFF;
	_ =	strace $0x90000046  }
0xb2: {  	s29 =	simm.s32 $0x9;
	_ =	strace $0x80000048  }
0xb3: {  	_ =	swait.ge [sflag:s29], $0x1  }
0xb4: {  	[sflag:s29] =	ssyncadd.s32 $0xFFFFFFFF  }
0xb5: {  	_ =	strace $0x90000048  }
0xb6: {  	_ =	sfence  }
0xb7: {  	s30 =	sld [smem:$0x0];
	_ =	sdelay $0x2  }
0xb8: {  	s31 =	sshll.u32 s1, $0xD;
	s1 =	sshrl.u32 s1, $0x2  }
0xb9: {  	s3 =	sand.u32 $0x4000, s31;
	s1 =	sadd.s32 s1, s30  }
0xba: {  	s0 =	sor.u32 s3, s0;
	s1 =	sshll.u32 s1, $0x11  }
0xbb: {  	s0 =	sor.u32 s1, s0  }
0xbc: {  	s0 =	sadd.s32 $0x8F2B, s0  }
0xbd: {  	[sflag:s0] =	ssyncadd.remote.s32 $0x1  }
0xbe: {  	_ =	sfence.sel $0xFFFF  }
0xbf: {  	[dreg:$0x0] =	wrdreg $0xFFFFFFFF;
	(pc) =	sbr.abs _section_cstart, $3  }
0xc0: {  	[dreg:$0x1] =	wrdreg $0xFFFFFFFF  }
0xc1: {  	_ =	task.clear_ibuf [dreg:s7], $0x2FFFF;
	_ =	strace $0x9FFFFFFF  }
0xc2: {  	(tm) =	ssettm $0x7FFFFFFF  }
0xc3: {  	_ =	shalt  }
tec
execute0_lowered:
.L_overlay_start_1:
0x0: {  	(tag) =	ssettag $0x1  }
0x1: {  	s0 =	rddreg [dreg:$0x0];
	s1 =	srdreg.scid  }
0x2: {  	s3 =	stileid.u32;
	s2 =	rddreg [dreg:$0x1];
	s10 =	simm.s32 $0x9  }
0x3: {  	s11 =	simm.s32 $0x64;
	s12 =	simm.s32 $0x3300;
	s13 =	simm.s32 $0x68  }
0x4: {  	s14 =	simm.s32 $0x4C00;
	s15 =	simm.s32 $0xD0;
	s16 =	simm.s32 $0x6500  }
0x5: {  	s17 =	simm.s32 $0x138;
	s18 =	simm.s32 $0x7E00;
	s19 =	simm.s32 $0x1  }
0x6: {  	s20 =	simm.s32 $0x2;
	s21 =	simm.s32 $0x3;
	s22 =	simm.s32 $0x4  }
0x7: {  	s23 =	simm.s32 $0x5;
	s24 =	simm.s32 $0x6;
	s25 =	simm.s32 $0x7  }
0x8: {  	s26 =	simm.s32 $0x8;
	s1 =	sand.u32 $0x1, s1;
	s4 =	sshll.u32 s3, $0x1  }
0x9: {  	s28 =	simm.s32 $0x0;
	s3 =	simm.s32 $0x0;
	s6 =	sor.u32 s1, s4  }
0xa: {  	[smem:$0x7FF] =	sst s3;
	s1 =	ssub.s32 $0x2, s1;
	s5 =	smul.u32 $0x340, s6  }
0xb: {  	s4 =	sadd.s32 $0xF43800, s0;
	_ =	strace $0x80000047;
	s8 =	sshrl.u32 s1, $0x1  }
0xc: {  	s6 =	sshll.u32 s6, $0x6;
	s31 =	ssub.s32 s1, s8;
	s7 =	sadd.s32 s5, s0  }
0xd: {  	s5 =	sadd.s32 $0x7C00, s0;
	s8 =	smax.u32 s31, $0x1;
	s7 =	sadd.s32 $0x1400, s7  }
.LBB2_1:
0xe: {  	s0 =	simm.s32 $0x1A00  }
0xf: {  	[tilespmem:s0], [sflag:$0x9] =	stream.linear.gather [hbm4b:s5+s3], $0x1900, $0x38;
	[tilespmem:$0x9700] =	vst v63  }
0x10: {  	_ =	swait.ge [sflag:s10], $0x1900  }
0x11: {  	[sflag:s10] =	ssyncset.done $0x0  }
0x12: {  	[sflag:s10] =	ssyncadd.s32 $0xFFFFE700  }
0x13: {  	[tilespmem:s3], [sflag:$0x9] =	stream.linear.gather [hbm4b:s7+s3], $0x1A00, $0x38;
	[tilespmem:$0x9700] =	vst v63  }
0x14: {  	_ =	swait.ge [sflag:s10], $0x1A00  }
0x15: {  	[sflag:s10] =	ssyncset.done $0x0  }
0x16: {  	[sflag:s10] =	ssyncadd.s32 $0xFFFFE600  }
0x17: {  	[tilespmem:s12], [sflag:$0x1] =	stream.indirect.gather [hbm4b:s4+s11], $0x40, s3, s11, $0xb8;
	[tilespmem:$0x9700] =	vst v63  }
0x18: {  	_ = 	snop  }
0x19: {  	[tilespmem:s14], [sflag:$0x2] =	stream.indirect.gather [hbm4b:s4+s11], $0x40, s13, s11, $0xb8;
	[tilespmem:$0x9700] =	vst v63  }
0x1a: {  	_ = 	snop  }
0x1b: {  	[tilespmem:s16], [sflag:$0x3] =	stream.indirect.gather [hbm4b:s4+s11], $0x40, s15, s11, $0xb8;
	[tilespmem:$0x9700] =	vst v63  }
0x1c: {  	s29 =	simm.s32 $0x0  }
0x1d: {  	[tilespmem:s18], [sflag:$0x4] =	stream.indirect.gather [hbm4b:s4+s11], $0x40, s17, s11, $0xb8;
	[tilespmem:$0x9700] =	vst v63  }
.LBB2_2:
0x1e: {  	_ =	swait.ge [sflag:s19], $0x1900  }
0x1f: {  	[sflag:s19] =	ssyncset.done $0x0  }
0x20: {  	s1 =	simm.s32 $0x0;
	[sflag:s19] =	ssyncadd.s32 $0xFFFFE700  }
0x21: {  	v6 =	vld [tilespmem:s1+$0x1A00]  }
0x22: {  	v7 =	vld [tilespmem:s1+$0x1A10]  }
0x23: {  	v8 =	vld [tilespmem:s1+$0x1A20]  }
0x24: {  	v9 =	vld [tilespmem:s1+$0x1A30]  }
0x25: {  	v10 =	vld [tilespmem:s1+$0x1A40]  }
0x26: {  	v11 =	vld [tilespmem:s1+$0x1A50]  }
0x27: {  	v12 =	vld [tilespmem:s1+$0x1A60]  }
0x28: {  	v13 =	vld [tilespmem:s1+$0x1A70]  }
0x29: {  	v14 =	vld [tilespmem:s1+$0x1A80]  }
0x2a: {  	v15 =	vld [tilespmem:s1+$0x1A90]  }
0x2b: {  	v5 =	vld [tilespmem:s1+$0x1AA0]  }
0x2c: {  	v4 =	vld [tilespmem:s1+$0x1AB0]  }
0x2d: {  	v3 =	vld [tilespmem:s1+$0x1AC0]  }
0x2e: {  	v2 =	vld [tilespmem:s1+$0x1AD0]  }
0x2f: {  	v1 =	vld [tilespmem:s1+$0x1AE0]  }
0x30: {  	v0 =	vld [tilespmem:s1+$0x1AF0]  }
0x31: {  	v16 =	vld [tilespmem:s1+$0x3300]  }
0x32: {  	v17 =	vld [tilespmem:s1+$0x3310]  }
0x33: {  	v18 =	vld [tilespmem:s1+$0x3320]  }
0x34: {  	v19 =	vld [tilespmem:s1+$0x3330]  }
0x35: {  	v20 =	vld [tilespmem:s1+$0x3340]  }
0x36: {  	v60 =	vld [tilespmem:s1+$0x3350];
	v6 =	vadd.f32 v6, v16  }
0x37: {  	v21 =	vld [tilespmem:s1+$0x3360];
	v7 =	vadd.f32 v7, v17  }
0x38: {  	v61 =	vld [tilespmem:s1+$0x3370];
	[tilespmem:s1+$0x3300] =	vst v6;
	v6 =	vadd.f32 v8, v18  }
0x39: {  	v62 =	vld [tilespmem:s1+$0x3380];
	[tilespmem:s1+$0x3310] =	vst v7;
	v7 =	vadd.f32 v9, v19  }
0x3a: {  	v63 =	vld [tilespmem:s1+$0x3390];
	[tilespmem:s1+$0x3320] =	vst v6;
	v6 =	vadd.f32 v10, v20  }
0x3b: {  	v8 =	vadd.f32 v11, v60;
	[tilespmem:s1+$0x3330] =	vst v7;
	v7 =	vld [tilespmem:s1+$0x33A0]  }
0x3c: {  	v9 =	vadd.f32 v12, v21;
	[tilespmem:s1+$0x3340] =	vst v6;
	v6 =	vld [tilespmem:s1+$0x33B0]  }
0x3d: {  	[tilespmem:s1+$0x3350] =	vst v8;
	v8 =	vld [tilespmem:s1+$0x33C0];
	v10 =	vadd.f32 v13, v61  }
0x3e: {  	v12 =	vadd.f32 v14, v62;
	[tilespmem:s1+$0x3360] =	vst v9;
	v9 =	vld [tilespmem:s1+$0x33D0]  }
0x3f: {  	s30 =	simm.s32 $0x400;
	v11 =	vadd.f32 v15, v63;
	[tilespmem:s1+$0x3370] =	vst v10;
	v10 =	vld [tilespmem:s1+$0x33E0]  }
.LBB2_3:
0x40: {  	s0 =	sshra.s32 s30, $0x2;
	p0 =	sne.s32 s30, $0x6000;
	[tilespmem:s1+$0x3380] =	vst v12;
	v5 =	vadd.f32 v5, v7;
	v7 =	vld [tilespmem:s1+$0x33F0]  }
0x41: {  	v12 =	vld [tilespmem:s0+$0x1A00];
	[tilespmem:s1+$0x3390] =	vst v11;
	v4 =	vadd.f32 v4, v6  }
0x42: {  	v6 =	vld [tilespmem:s0+$0x1A10];
	[tilespmem:s1+$0x33A0] =	vst v5;
	v3 =	vadd.f32 v3, v8  }
0x43: {  	v8 =	vld [tilespmem:s0+$0x1A20];
	[tilespmem:s1+$0x33B0] =	vst v4;
	v2 =	vadd.f32 v2, v9  }
0x44: {  	v9 =	vld [tilespmem:s0+$0x1A30];
	[tilespmem:s1+$0x33C0] =	vst v3;
	v1 =	vadd.f32 v1, v10  }
0x45: {  	v10 =	vld [tilespmem:s0+$0x1A40];
	[tilespmem:s1+$0x33D0] =	vst v2;
	v0 =	vadd.f32 v0, v7  }
0x46: {  	v7 =	vld [tilespmem:s0+$0x1A50];
	[tilespmem:s1+$0x33E0] =	vst v1  }
0x47: {  	v11 =	vld [tilespmem:s0+$0x1A60];
	[tilespmem:s1+$0x33F0] =	vst v0;
	s1 =	smov.u32 s0  }
0x48: {  	v13 =	vld [tilespmem:s1+$0x1A70]  }
0x49: {  	v14 =	vld [tilespmem:s1+$0x1A80]  }
0x4a: {  	v15 =	vld [tilespmem:s1+$0x1A90]  }
0x4b: {  	v5 =	vld [tilespmem:s1+$0x1AA0]  }
0x4c: {  	v4 =	vld [tilespmem:s1+$0x1AB0]  }
0x4d: {  	v3 =	vld [tilespmem:s1+$0x1AC0]  }
0x4e: {  	v2 =	vld [tilespmem:s1+$0x1AD0]  }
0x4f: {  	v1 =	vld [tilespmem:s1+$0x1AE0]  }
0x50: {  	v0 =	vld [tilespmem:s1+$0x1AF0]  }
0x51: {  	v16 =	vld [tilespmem:s1+$0x3300]  }
0x52: {  	v17 =	vld [tilespmem:s1+$0x3310]  }
0x53: {  	v18 =	vld [tilespmem:s1+$0x3320]  }
0x54: {  	v19 =	vld [tilespmem:s1+$0x3330]  }
0x55: {  	v20 =	vld [tilespmem:s1+$0x3340]  }
0x56: {  	v12 =	vadd.f32 v12, v16;
	v16 =	vld [tilespmem:s1+$0x3350]  }
0x57: {  	v6 =	vadd.f32 v6, v17;
	v17 =	vld [tilespmem:s1+$0x3360]  }
0x58: {  	[tilespmem:s1+$0x3300] =	vst v12;
	v8 =	vadd.f32 v8, v18;
	v12 =	vld [tilespmem:s1+$0x3370]  }
0x59: {  	[tilespmem:s1+$0x3310] =	vst v6;
	v6 =	vadd.f32 v9, v19;
	v9 =	vld [tilespmem:s1+$0x3380]  }
0x5a: {  	[tilespmem:s1+$0x3320] =	vst v8;
	v8 =	vadd.f32 v10, v20;
	v10 =	vld [tilespmem:s1+$0x3390]  }
.Ltmp0:
0x5b: {  	[tilespmem:s1+$0x3330] =	vst v6;
	v16 =	vadd.f32 v7, v16;
	v7 =	vld [tilespmem:s1+$0x33A0];
	(pc) =	sbr.rel @p0 .LBB2_3-.Ltmp0, $4  }
0x5c: {  	[tilespmem:s1+$0x3340] =	vst v8;
	v11 =	vadd.f32 v11, v17;
	v6 =	vld [tilespmem:s1+$0x33B0]  }
0x5d: {  	[tilespmem:s1+$0x3350] =	vst v16;
	v13 =	vadd.f32 v13, v12;
	v8 =	vld [tilespmem:s1+$0x33C0]  }
0x5e: {  	[tilespmem:s1+$0x3360] =	vst v11;
	v12 =	vadd.f32 v14, v9;
	v9 =	vld [tilespmem:s1+$0x33D0]  }
0x5f: {  	s30 =	sadd.s32 $0x400, s30;
	[tilespmem:s1+$0x3370] =	vst v13;
	v11 =	vadd.f32 v15, v10;
	v10 =	vld [tilespmem:s1+$0x33E0]  }
0x60: {  	[tilespmem:s1+$0x3380] =	vst v12;
	v5 =	vadd.f32 v5, v7;
	v7 =	vld [tilespmem:s1+$0x33F0]  }
0x61: {  	[tilespmem:s1+$0x3390] =	vst v11;
	v4 =	vadd.f32 v4, v6  }
0x62: {  	[tilespmem:s1+$0x33A0] =	vst v5;
	v3 =	vadd.f32 v3, v8  }
0x63: {  	s30 =	sshll.u32 s29, $0x2;
	[tilespmem:s1+$0x33B0] =	vst v4;
	v2 =	vadd.f32 v2, v9  }
0x64: {  	s31 =	sadd.s32 s6, s30;
	[tilespmem:s1+$0x33C0] =	vst v3;
	v1 =	vadd.f32 v1, v10  }
0x65: {  	s0 =	smul.u32 $0x320, s31;
	[tilespmem:s1+$0x33D0] =	vst v2;
	v0 =	vadd.f32 v0, v7  }
0x66: {  	[tilespmem:s1+$0x33E0] =	vst v1  }
0x67: {  	s9 =	simm.s32 $0x0;
	s0 =	sadd.s32 s2, s0;
	[tilespmem:s1+$0x33F0] =	vst v0  }
0x68: {  	[hbm4b:s0+s9] =	stream.linear.scatter [tilespmem:s12], [sflag:$0x5], $0x1900, $0x38;
	[tilespmem:$0x9700] =	vst v63  }
0x69: {  	_ =	swait.ge [sflag:s20], $0x1900  }
0x6a: {  	[sflag:s20] =	ssyncset.done $0x0  }
0x6b: {  	s1 =	simm.s32 $0x0;
	[sflag:s20] =	ssyncadd.s32 $0xFFFFE700  }
0x6c: {  	v6 =	vld [tilespmem:s1+$0x1A00]  }
0x6d: {  	v7 =	vld [tilespmem:s1+$0x1A10]  }
0x6e: {  	v8 =	vld [tilespmem:s1+$0x1A20]  }
0x6f: {  	v9 =	vld [tilespmem:s1+$0x1A30]  }
0x70: {  	v10 =	vld [tilespmem:s1+$0x1A40]  }
0x71: {  	v11 =	vld [tilespmem:s1+$0x1A50]  }
0x72: {  	v12 =	vld [tilespmem:s1+$0x1A60]  }
0x73: {  	v13 =	vld [tilespmem:s1+$0x1A70]  }
0x74: {  	v14 =	vld [tilespmem:s1+$0x1A80]  }
0x75: {  	v15 =	vld [tilespmem:s1+$0x1A90]  }
0x76: {  	v5 =	vld [tilespmem:s1+$0x1AA0]  }
0x77: {  	v4 =	vld [tilespmem:s1+$0x1AB0]  }
0x78: {  	v3 =	vld [tilespmem:s1+$0x1AC0]  }
0x79: {  	v2 =	vld [tilespmem:s1+$0x1AD0]  }
0x7a: {  	v1 =	vld [tilespmem:s1+$0x1AE0]  }
0x7b: {  	v0 =	vld [tilespmem:s1+$0x1AF0]  }
0x7c: {  	v16 =	vld [tilespmem:s1+$0x4C00]  }
0x7d: {  	v17 =	vld [tilespmem:s1+$0x4C10]  }
0x7e: {  	v18 =	vld [tilespmem:s1+$0x4C20]  }
0x7f: {  	v19 =	vld [tilespmem:s1+$0x4C30]  }
0x80: {  	v20 =	vld [tilespmem:s1+$0x4C40]  }
0x81: {  	v60 =	vld [tilespmem:s1+$0x4C50];
	v6 =	vadd.f32 v6, v16  }
0x82: {  	v21 =	vld [tilespmem:s1+$0x4C60];
	v7 =	vadd.f32 v7, v17  }
0x83: {  	v61 =	vld [tilespmem:s1+$0x4C70];
	[tilespmem:s1+$0x4C00] =	vst v6;
	v6 =	vadd.f32 v8, v18  }
0x84: {  	v62 =	vld [tilespmem:s1+$0x4C80];
	[tilespmem:s1+$0x4C10] =	vst v7;
	v7 =	vadd.f32 v9, v19  }
0x85: {  	v63 =	vld [tilespmem:s1+$0x4C90];
	[tilespmem:s1+$0x4C20] =	vst v6;
	v6 =	vadd.f32 v10, v20  }
0x86: {  	v8 =	vadd.f32 v11, v60;
	[tilespmem:s1+$0x4C30] =	vst v7;
	v7 =	vld [tilespmem:s1+$0x4CA0]  }
0x87: {  	v9 =	vadd.f32 v12, v21;
	[tilespmem:s1+$0x4C40] =	vst v6;
	v6 =	vld [tilespmem:s1+$0x4CB0]  }
0x88: {  	[tilespmem:s1+$0x4C50] =	vst v8;
	v8 =	vld [tilespmem:s1+$0x4CC0];
	v10 =	vadd.f32 v13, v61  }
0x89: {  	v12 =	vadd.f32 v14, v62;
	[tilespmem:s1+$0x4C60] =	vst v9;
	v9 =	vld [tilespmem:s1+$0x4CD0]  }
0x8a: {  	s0 =	simm.s32 $0x400;
	v11 =	vadd.f32 v15, v63;
	[tilespmem:s1+$0x4C70] =	vst v10;
	v10 =	vld [tilespmem:s1+$0x4CE0]  }
.LBB2_5:
0x8b: {  	s9 =	sshra.s32 s0, $0x2;
	p0 =	sne.s32 s0, $0x6000;
	[tilespmem:s1+$0x4C80] =	vst v12;
	v5 =	vadd.f32 v5, v7;
	v7 =	vld [tilespmem:s1+$0x4CF0]  }
0x8c: {  	v12 =	vld [tilespmem:s9+$0x1A00];
	[tilespmem:s1+$0x4C90] =	vst v11;
	v4 =	vadd.f32 v4, v6  }
0x8d: {  	v6 =	vld [tilespmem:s9+$0x1A10];
	[tilespmem:s1+$0x4CA0] =	vst v5;
	v3 =	vadd.f32 v3, v8  }
0x8e: {  	v8 =	vld [tilespmem:s9+$0x1A20];
	[tilespmem:s1+$0x4CB0] =	vst v4;
	v2 =	vadd.f32 v2, v9  }
0x8f: {  	v9 =	vld [tilespmem:s9+$0x1A30];
	[tilespmem:s1+$0x4CC0] =	vst v3;
	v1 =	vadd.f32 v1, v10  }
0x90: {  	v10 =	vld [tilespmem:s9+$0x1A40];
	[tilespmem:s1+$0x4CD0] =	vst v2;
	v0 =	vadd.f32 v0, v7  }
0x91: {  	v7 =	vld [tilespmem:s9+$0x1A50];
	[tilespmem:s1+$0x4CE0] =	vst v1  }
0x92: {  	v11 =	vld [tilespmem:s9+$0x1A60];
	[tilespmem:s1+$0x4CF0] =	vst v0;
	s1 =	smov.u32 s9  }
0x93: {  	v13 =	vld [tilespmem:s1+$0x1A70]  }
0x94: {  	v14 =	vld [tilespmem:s1+$0x1A80]  }
0x95: {  	v15 =	vld [tilespmem:s1+$0x1A90]  }
0x96: {  	v5 =	vld [tilespmem:s1+$0x1AA0]  }
0x97: {  	v4 =	vld [tilespmem:s1+$0x1AB0]  }
0x98: {  	v3 =	vld [tilespmem:s1+$0x1AC0]  }
0x99: {  	v2 =	vld [tilespmem:s1+$0x1AD0]  }
0x9a: {  	v1 =	vld [tilespmem:s1+$0x1AE0]  }
0x9b: {  	v0 =	vld [tilespmem:s1+$0x1AF0]  }
0x9c: {  	v16 =	vld [tilespmem:s1+$0x4C00]  }
0x9d: {  	v17 =	vld [tilespmem:s1+$0x4C10]  }
0x9e: {  	v18 =	vld [tilespmem:s1+$0x4C20]  }
0x9f: {  	v19 =	vld [tilespmem:s1+$0x4C30]  }
0xa0: {  	v20 =	vld [tilespmem:s1+$0x4C40]  }
0xa1: {  	v12 =	vadd.f32 v12, v16;
	v16 =	vld [tilespmem:s1+$0x4C50]  }
0xa2: {  	v6 =	vadd.f32 v6, v17;
	v17 =	vld [tilespmem:s1+$0x4C60]  }
0xa3: {  	[tilespmem:s1+$0x4C00] =	vst v12;
	v8 =	vadd.f32 v8, v18;
	v12 =	vld [tilespmem:s1+$0x4C70]  }
0xa4: {  	[tilespmem:s1+$0x4C10] =	vst v6;
	v6 =	vadd.f32 v9, v19;
	v9 =	vld [tilespmem:s1+$0x4C80]  }
0xa5: {  	[tilespmem:s1+$0x4C20] =	vst v8;
	v8 =	vadd.f32 v10, v20;
	v10 =	vld [tilespmem:s1+$0x4C90]  }
.Ltmp1:
0xa6: {  	[tilespmem:s1+$0x4C30] =	vst v6;
	v16 =	vadd.f32 v7, v16;
	v7 =	vld [tilespmem:s1+$0x4CA0];
	(pc) =	sbr.rel @p0 .LBB2_5-.Ltmp1, $4  }
0xa7: {  	[tilespmem:s1+$0x4C40] =	vst v8;
	v11 =	vadd.f32 v11, v17;
	v6 =	vld [tilespmem:s1+$0x4CB0]  }
0xa8: {  	[tilespmem:s1+$0x4C50] =	vst v16;
	v13 =	vadd.f32 v13, v12;
	v8 =	vld [tilespmem:s1+$0x4CC0]  }
0xa9: {  	[tilespmem:s1+$0x4C60] =	vst v11;
	v12 =	vadd.f32 v14, v9;
	v9 =	vld [tilespmem:s1+$0x4CD0]  }
0xaa: {  	s0 =	sadd.s32 $0x400, s0;
	[tilespmem:s1+$0x4C70] =	vst v13;
	v11 =	vadd.f32 v15, v10;
	v10 =	vld [tilespmem:s1+$0x4CE0]  }
0xab: {  	[tilespmem:s1+$0x4C80] =	vst v12;
	v5 =	vadd.f32 v5, v7;
	v7 =	vld [tilespmem:s1+$0x4CF0]  }
0xac: {  	[tilespmem:s1+$0x4C90] =	vst v11;
	v4 =	vadd.f32 v4, v6  }
0xad: {  	[tilespmem:s1+$0x4CA0] =	vst v5;
	v3 =	vadd.f32 v3, v8  }
0xae: {  	s0 =	smul.u32 $0x1900, s31;
	[tilespmem:s1+$0x4CB0] =	vst v4;
	v2 =	vadd.f32 v2, v9  }
0xaf: {  	[tilespmem:s1+$0x4CC0] =	vst v3;
	v1 =	vadd.f32 v1, v10  }
0xb0: {  	s0 =	sshrl.u32 s0, $0x3;
	[tilespmem:s1+$0x4CD0] =	vst v2;
	v0 =	vadd.f32 v0, v7  }
0xb1: {  	s31 =	sadd.s32 s2, s0;
	[tilespmem:s1+$0x4CE0] =	vst v1  }
0xb2: {  	s9 =	simm.s32 $0x0;
	s0 =	sadd.s32 $0x320, s31;
	[tilespmem:s1+$0x4CF0] =	vst v0  }
0xb3: {  	[hbm4b:s0+s9] =	stream.linear.scatter [tilespmem:s14], [sflag:$0x6], $0x1900, $0x38;
	[tilespmem:$0x9700] =	vst v63  }
0xb4: {  	_ =	swait.ge [sflag:s21], $0x1900  }
0xb5: {  	[sflag:s21] =	ssyncset.done $0x0  }
0xb6: {  	s1 =	simm.s32 $0x0;
	[sflag:s21] =	ssyncadd.s32 $0xFFFFE700  }
0xb7: {  	v6 =	vld [tilespmem:s1+$0x1A00]  }
0xb8: {  	v7 =	vld [tilespmem:s1+$0x1A10]  }
0xb9: {  	v8 =	vld [tilespmem:s1+$0x1A20]  }
0xba: {  	v9 =	vld [tilespmem:s1+$0x1A30]  }
0xbb: {  	v10 =	vld [tilespmem:s1+$0x1A40]  }
0xbc: {  	v11 =	vld [tilespmem:s1+$0x1A50]  }
0xbd: {  	v12 =	vld [tilespmem:s1+$0x1A60]  }
0xbe: {  	v13 =	vld [tilespmem:s1+$0x1A70]  }
0xbf: {  	v14 =	vld [tilespmem:s1+$0x1A80]  }
0xc0: {  	v15 =	vld [tilespmem:s1+$0x1A90]  }
0xc1: {  	v5 =	vld [tilespmem:s1+$0x1AA0]  }
0xc2: {  	v4 =	vld [tilespmem:s1+$0x1AB0]  }
0xc3: {  	v3 =	vld [tilespmem:s1+$0x1AC0]  }
0xc4: {  	v2 =	vld [tilespmem:s1+$0x1AD0]  }
0xc5: {  	v1 =	vld [tilespmem:s1+$0x1AE0]  }
0xc6: {  	v0 =	vld [tilespmem:s1+$0x1AF0]  }
0xc7: {  	v16 =	vld [tilespmem:s1+$0x6500]  }
0xc8: {  	v17 =	vld [tilespmem:s1+$0x6510]  }
0xc9: {  	v18 =	vld [tilespmem:s1+$0x6520]  }
0xca: {  	v19 =	vld [tilespmem:s1+$0x6530]  }
0xcb: {  	v20 =	vld [tilespmem:s1+$0x6540]  }
0xcc: {  	v60 =	vld [tilespmem:s1+$0x6550];
	v6 =	vadd.f32 v6, v16  }
0xcd: {  	v21 =	vld [tilespmem:s1+$0x6560];
	v7 =	vadd.f32 v7, v17  }
0xce: {  	v61 =	vld [tilespmem:s1+$0x6570];
	[tilespmem:s1+$0x6500] =	vst v6;
	v6 =	vadd.f32 v8, v18  }
0xcf: {  	v62 =	vld [tilespmem:s1+$0x6580];
	[tilespmem:s1+$0x6510] =	vst v7;
	v7 =	vadd.f32 v9, v19  }
0xd0: {  	v63 =	vld [tilespmem:s1+$0x6590];
	[tilespmem:s1+$0x6520] =	vst v6;
	v6 =	vadd.f32 v10, v20  }
0xd1: {  	v8 =	vadd.f32 v11, v60;
	[tilespmem:s1+$0x6530] =	vst v7;
	v7 =	vld [tilespmem:s1+$0x65A0]  }
0xd2: {  	v9 =	vadd.f32 v12, v21;
	[tilespmem:s1+$0x6540] =	vst v6;
	v6 =	vld [tilespmem:s1+$0x65B0]  }
0xd3: {  	[tilespmem:s1+$0x6550] =	vst v8;
	v8 =	vld [tilespmem:s1+$0x65C0];
	v10 =	vadd.f32 v13, v61  }
0xd4: {  	v12 =	vadd.f32 v14, v62;
	[tilespmem:s1+$0x6560] =	vst v9;
	v9 =	vld [tilespmem:s1+$0x65D0]  }
0xd5: {  	s0 =	simm.s32 $0x400;
	v11 =	vadd.f32 v15, v63;
	[tilespmem:s1+$0x6570] =	vst v10;
	v10 =	vld [tilespmem:s1+$0x65E0]  }
.LBB2_7:
0xd6: {  	s9 =	sshra.s32 s0, $0x2;
	p0 =	sne.s32 s0, $0x6000;
	[tilespmem:s1+$0x6580] =	vst v12;
	v5 =	vadd.f32 v5, v7;
	v7 =	vld [tilespmem:s1+$0x65F0]  }
0xd7: {  	v12 =	vld [tilespmem:s9+$0x1A00];
	[tilespmem:s1+$0x6590] =	vst v11;
	v4 =	vadd.f32 v4, v6  }
0xd8: {  	v6 =	vld [tilespmem:s9+$0x1A10];
	[tilespmem:s1+$0x65A0] =	vst v5;
	v3 =	vadd.f32 v3, v8  }
0xd9: {  	v8 =	vld [tilespmem:s9+$0x1A20];
	[tilespmem:s1+$0x65B0] =	vst v4;
	v2 =	vadd.f32 v2, v9  }
0xda: {  	v9 =	vld [tilespmem:s9+$0x1A30];
	[tilespmem:s1+$0x65C0] =	vst v3;
	v1 =	vadd.f32 v1, v10  }
0xdb: {  	v10 =	vld [tilespmem:s9+$0x1A40];
	[tilespmem:s1+$0x65D0] =	vst v2;
	v0 =	vadd.f32 v0, v7  }
0xdc: {  	v7 =	vld [tilespmem:s9+$0x1A50];
	[tilespmem:s1+$0x65E0] =	vst v1  }
0xdd: {  	v11 =	vld [tilespmem:s9+$0x1A60];
	[tilespmem:s1+$0x65F0] =	vst v0;
	s1 =	smov.u32 s9  }
0xde: {  	v13 =	vld [tilespmem:s1+$0x1A70]  }
0xdf: {  	v14 =	vld [tilespmem:s1+$0x1A80]  }
0xe0: {  	v15 =	vld [tilespmem:s1+$0x1A90]  }
0xe1: {  	v5 =	vld [tilespmem:s1+$0x1AA0]  }
0xe2: {  	v4 =	vld [tilespmem:s1+$0x1AB0]  }
0xe3: {  	v3 =	vld [tilespmem:s1+$0x1AC0]  }
0xe4: {  	v2 =	vld [tilespmem:s1+$0x1AD0]  }
0xe5: {  	v1 =	vld [tilespmem:s1+$0x1AE0]  }
0xe6: {  	v0 =	vld [tilespmem:s1+$0x1AF0]  }
0xe7: {  	v16 =	vld [tilespmem:s1+$0x6500]  }
0xe8: {  	v17 =	vld [tilespmem:s1+$0x6510]  }
0xe9: {  	v18 =	vld [tilespmem:s1+$0x6520]  }
0xea: {  	v19 =	vld [tilespmem:s1+$0x6530]  }
0xeb: {  	v20 =	vld [tilespmem:s1+$0x6540]  }
0xec: {  	v12 =	vadd.f32 v12, v16;
	v16 =	vld [tilespmem:s1+$0x6550]  }
0xed: {  	v6 =	vadd.f32 v6, v17;
	v17 =	vld [tilespmem:s1+$0x6560]  }
0xee: {  	[tilespmem:s1+$0x6500] =	vst v12;
	v8 =	vadd.f32 v8, v18;
	v12 =	vld [tilespmem:s1+$0x6570]  }
0xef: {  	[tilespmem:s1+$0x6510] =	vst v6;
	v6 =	vadd.f32 v9, v19;
	v9 =	vld [tilespmem:s1+$0x6580]  }
0xf0: {  	[tilespmem:s1+$0x6520] =	vst v8;
	v8 =	vadd.f32 v10, v20;
	v10 =	vld [tilespmem:s1+$0x6590]  }
.Ltmp2:
0xf1: {  	[tilespmem:s1+$0x6530] =	vst v6;
	v16 =	vadd.f32 v7, v16;
	v7 =	vld [tilespmem:s1+$0x65A0];
	(pc) =	sbr.rel @p0 .LBB2_7-.Ltmp2, $4  }
0xf2: {  	[tilespmem:s1+$0x6540] =	vst v8;
	v11 =	vadd.f32 v11, v17;
	v6 =	vld [tilespmem:s1+$0x65B0]  }
0xf3: {  	[tilespmem:s1+$0x6550] =	vst v16;
	v13 =	vadd.f32 v13, v12;
	v8 =	vld [tilespmem:s1+$0x65C0]  }
0xf4: {  	[tilespmem:s1+$0x6560] =	vst v11;
	v12 =	vadd.f32 v14, v9;
	v9 =	vld [tilespmem:s1+$0x65D0]  }
0xf5: {  	s0 =	sadd.s32 $0x400, s0;
	[tilespmem:s1+$0x6570] =	vst v13;
	v11 =	vadd.f32 v15, v10;
	v10 =	vld [tilespmem:s1+$0x65E0]  }
0xf6: {  	[tilespmem:s1+$0x6580] =	vst v12;
	v5 =	vadd.f32 v5, v7;
	v7 =	vld [tilespmem:s1+$0x65F0]  }
0xf7: {  	[tilespmem:s1+$0x6590] =	vst v11;
	v4 =	vadd.f32 v4, v6  }
0xf8: {  	[tilespmem:s1+$0x65A0] =	vst v5;
	v3 =	vadd.f32 v3, v8  }
0xf9: {  	[tilespmem:s1+$0x65B0] =	vst v4;
	v2 =	vadd.f32 v2, v9  }
0xfa: {  	[tilespmem:s1+$0x65C0] =	vst v3;
	v1 =	vadd.f32 v1, v10  }
0xfb: {  	[tilespmem:s1+$0x65D0] =	vst v2;
	v0 =	vadd.f32 v0, v7  }
0xfc: {  	[tilespmem:s1+$0x65E0] =	vst v1  }
0xfd: {  	s0 =	sadd.s32 $0x640, s31;
	s9 =	simm.s32 $0x0;
	[tilespmem:s1+$0x65F0] =	vst v0  }
0xfe: {  	[hbm4b:s0+s9] =	stream.linear.scatter [tilespmem:s16], [sflag:$0x7], $0x1900, $0x38;
	[tilespmem:$0x9700] =	vst v63  }
0xff: {  	_ =	swait.ge [sflag:s22], $0x1900  }
0x100: {  	[sflag:s22] =	ssyncset.done $0x0  }
0x101: {  	s1 =	simm.s32 $0x0;
	[sflag:s22] =	ssyncadd.s32 $0xFFFFE700  }
0x102: {  	v6 =	vld [tilespmem:s1+$0x1A00]  }
0x103: {  	v7 =	vld [tilespmem:s1+$0x1A10]  }
0x104: {  	v8 =	vld [tilespmem:s1+$0x1A20]  }
0x105: {  	v9 =	vld [tilespmem:s1+$0x1A30]  }
0x106: {  	v10 =	vld [tilespmem:s1+$0x1A40]  }
0x107: {  	v11 =	vld [tilespmem:s1+$0x1A50]  }
0x108: {  	v12 =	vld [tilespmem:s1+$0x1A60]  }
0x109: {  	v13 =	vld [tilespmem:s1+$0x1A70]  }
0x10a: {  	v14 =	vld [tilespmem:s1+$0x1A80]  }
0x10b: {  	v15 =	vld [tilespmem:s1+$0x1A90]  }
0x10c: {  	v5 =	vld [tilespmem:s1+$0x1AA0]  }
0x10d: {  	v4 =	vld [tilespmem:s1+$0x1AB0]  }
0x10e: {  	v3 =	vld [tilespmem:s1+$0x1AC0]  }
0x10f: {  	v2 =	vld [tilespmem:s1+$0x1AD0]  }
0x110: {  	v1 =	vld [tilespmem:s1+$0x1AE0]  }
0x111: {  	v0 =	vld [tilespmem:s1+$0x1AF0]  }
0x112: {  	v16 =	vld [tilespmem:s1+$0x7E00]  }
0x113: {  	v17 =	vld [tilespmem:s1+$0x7E10]  }
0x114: {  	v18 =	vld [tilespmem:s1+$0x7E20]  }
0x115: {  	v19 =	vld [tilespmem:s1+$0x7E30]  }
0x116: {  	v20 =	vld [tilespmem:s1+$0x7E40]  }
0x117: {  	v60 =	vld [tilespmem:s1+$0x7E50];
	v6 =	vadd.f32 v6, v16  }
0x118: {  	v21 =	vld [tilespmem:s1+$0x7E60];
	v7 =	vadd.f32 v7, v17  }
0x119: {  	v61 =	vld [tilespmem:s1+$0x7E70];
	[tilespmem:s1+$0x7E00] =	vst v6;
	v6 =	vadd.f32 v8, v18  }
0x11a: {  	v62 =	vld [tilespmem:s1+$0x7E80];
	[tilespmem:s1+$0x7E10] =	vst v7;
	v7 =	vadd.f32 v9, v19  }
0x11b: {  	v63 =	vld [tilespmem:s1+$0x7E90];
	[tilespmem:s1+$0x7E20] =	vst v6;
	v6 =	vadd.f32 v10, v20  }
0x11c: {  	v8 =	vadd.f32 v11, v60;
	[tilespmem:s1+$0x7E30] =	vst v7;
	v7 =	vld [tilespmem:s1+$0x7EA0]  }
0x11d: {  	v9 =	vadd.f32 v12, v21;
	[tilespmem:s1+$0x7E40] =	vst v6;
	v6 =	vld [tilespmem:s1+$0x7EB0]  }
0x11e: {  	[tilespmem:s1+$0x7E50] =	vst v8;
	v8 =	vld [tilespmem:s1+$0x7EC0];
	v10 =	vadd.f32 v13, v61  }
0x11f: {  	v12 =	vadd.f32 v14, v62;
	[tilespmem:s1+$0x7E60] =	vst v9;
	v9 =	vld [tilespmem:s1+$0x7ED0]  }
0x120: {  	s0 =	simm.s32 $0x400;
	v11 =	vadd.f32 v15, v63;
	[tilespmem:s1+$0x7E70] =	vst v10;
	v10 =	vld [tilespmem:s1+$0x7EE0]  }
.LBB2_9:
0x121: {  	s9 =	sshra.s32 s0, $0x2;
	p0 =	sne.s32 s0, $0x6000;
	[tilespmem:s1+$0x7E80] =	vst v12;
	v5 =	vadd.f32 v5, v7;
	v7 =	vld [tilespmem:s1+$0x7EF0]  }
0x122: {  	v12 =	vld [tilespmem:s9+$0x1A00];
	[tilespmem:s1+$0x7E90] =	vst v11;
	v4 =	vadd.f32 v4, v6  }
0x123: {  	v6 =	vld [tilespmem:s9+$0x1A10];
	[tilespmem:s1+$0x7EA0] =	vst v5;
	v3 =	vadd.f32 v3, v8  }
0x124: {  	v8 =	vld [tilespmem:s9+$0x1A20];
	[tilespmem:s1+$0x7EB0] =	vst v4;
	v2 =	vadd.f32 v2, v9  }
0x125: {  	v9 =	vld [tilespmem:s9+$0x1A30];
	[tilespmem:s1+$0x7EC0] =	vst v3;
	v1 =	vadd.f32 v1, v10  }
0x126: {  	v10 =	vld [tilespmem:s9+$0x1A40];
	[tilespmem:s1+$0x7ED0] =	vst v2;
	v0 =	vadd.f32 v0, v7  }
0x127: {  	v7 =	vld [tilespmem:s9+$0x1A50];
	[tilespmem:s1+$0x7EE0] =	vst v1  }
0x128: {  	v11 =	vld [tilespmem:s9+$0x1A60];
	[tilespmem:s1+$0x7EF0] =	vst v0;
	s1 =	smov.u32 s9  }
0x129: {  	v13 =	vld [tilespmem:s1+$0x1A70]  }
0x12a: {  	v14 =	vld [tilespmem:s1+$0x1A80]  }
0x12b: {  	v15 =	vld [tilespmem:s1+$0x1A90]  }
0x12c: {  	v5 =	vld [tilespmem:s1+$0x1AA0]  }
0x12d: {  	v4 =	vld [tilespmem:s1+$0x1AB0]  }
0x12e: {  	v3 =	vld [tilespmem:s1+$0x1AC0]  }
0x12f: {  	v2 =	vld [tilespmem:s1+$0x1AD0]  }
0x130: {  	v1 =	vld [tilespmem:s1+$0x1AE0]  }
0x131: {  	v0 =	vld [tilespmem:s1+$0x1AF0]  }
0x132: {  	v16 =	vld [tilespmem:s1+$0x7E00]  }
0x133: {  	v17 =	vld [tilespmem:s1+$0x7E10]  }
0x134: {  	v18 =	vld [tilespmem:s1+$0x7E20]  }
0x135: {  	v19 =	vld [tilespmem:s1+$0x7E30]  }
0x136: {  	v20 =	vld [tilespmem:s1+$0x7E40]  }
0x137: {  	v12 =	vadd.f32 v12, v16;
	v16 =	vld [tilespmem:s1+$0x7E50]  }
0x138: {  	v6 =	vadd.f32 v6, v17;
	v17 =	vld [tilespmem:s1+$0x7E60]  }
0x139: {  	[tilespmem:s1+$0x7E00] =	vst v12;
	v8 =	vadd.f32 v8, v18;
	v12 =	vld [tilespmem:s1+$0x7E70]  }
0x13a: {  	[tilespmem:s1+$0x7E10] =	vst v6;
	v6 =	vadd.f32 v9, v19;
	v9 =	vld [tilespmem:s1+$0x7E80]  }
0x13b: {  	[tilespmem:s1+$0x7E20] =	vst v8;
	v8 =	vadd.f32 v10, v20;
	v10 =	vld [tilespmem:s1+$0x7E90]  }
.Ltmp3:
0x13c: {  	[tilespmem:s1+$0x7E30] =	vst v6;
	v16 =	vadd.f32 v7, v16;
	v7 =	vld [tilespmem:s1+$0x7EA0];
	(pc) =	sbr.rel @p0 .LBB2_9-.Ltmp3, $4  }
0x13d: {  	[tilespmem:s1+$0x7E40] =	vst v8;
	v11 =	vadd.f32 v11, v17;
	v6 =	vld [tilespmem:s1+$0x7EB0]  }
0x13e: {  	[tilespmem:s1+$0x7E50] =	vst v16;
	v13 =	vadd.f32 v13, v12;
	v8 =	vld [tilespmem:s1+$0x7EC0]  }
0x13f: {  	[tilespmem:s1+$0x7E60] =	vst v11;
	v12 =	vadd.f32 v14, v9;
	v9 =	vld [tilespmem:s1+$0x7ED0]  }
0x140: {  	s0 =	sadd.s32 $0x400, s0;
	[tilespmem:s1+$0x7E70] =	vst v13;
	v11 =	vadd.f32 v15, v10;
	v10 =	vld [tilespmem:s1+$0x7EE0]  }
0x141: {  	[tilespmem:s1+$0x7E80] =	vst v12;
	v5 =	vadd.f32 v5, v7;
	v63 =	vld [tilespmem:s1+$0x7EF0]  }
0x142: {  	[tilespmem:s1+$0x7E90] =	vst v11;
	v4 =	vadd.f32 v4, v6  }
0x143: {  	[tilespmem:s1+$0x7EA0] =	vst v5;
	v3 =	vadd.f32 v3, v8  }
0x144: {  	[tilespmem:s1+$0x7EB0] =	vst v4;
	v2 =	vadd.f32 v2, v9  }
0x145: {  	[tilespmem:s1+$0x7EC0] =	vst v3;
	v1 =	vadd.f32 v1, v10  }
0x146: {  	[tilespmem:s1+$0x7ED0] =	vst v2;
	v0 =	vadd.f32 v0, v63  }
0x147: {  	[tilespmem:s1+$0x7EE0] =	vst v1  }
0x148: {  	s0 =	sadd.s32 $0x960, s31;
	s31 =	smin.u32 s30, $0x3B;
	[tilespmem:s1+$0x7EF0] =	vst v0  }
0x149: {  	[hbm4b:s0+s3] =	stream.linear.scatter [tilespmem:s18], [sflag:$0x8], $0x1900, $0x38;
	[tilespmem:$0x9700] =	vst v63  }
0x14a: {  	s0 =	smul.u32 $0x1A0, s31  }
0x14b: {  	_ =	swait.ge [sflag:s23], $0x1900  }
0x14c: {  	[sflag:s23] =	ssyncset.done $0x0;
	s0 =	sshrl.u32 s0, $0x2  }
0x14d: {  	s1 =	smin.u32 s30, $0x3A;
	[sflag:s23] =	ssyncadd.s32 $0xFFFFE700;
	s0 =	sadd.s32 $0x1A0, s0  }
0x14e: {  	[tilespmem:s12], [sflag:$0x1] =	stream.indirect.gather [hbm4b:s4+s11], $0x40, s0, s11, $0xb8;
	[tilespmem:$0x9700] =	vst v63  }
0x14f: {  	s0 =	smul.u32 $0x1A0, s1  }
0x150: {  	_ =	swait.ge [sflag:s24], $0x1900  }
0x151: {  	[sflag:s24] =	ssyncset.done $0x0;
	s0 =	sshrl.u32 s0, $0x2  }
0x152: {  	s9 =	smin.u32 s30, $0x39;
	[sflag:s24] =	ssyncadd.s32 $0xFFFFE700;
	s0 =	sadd.s32 $0x208, s0  }
0x153: {  	[tilespmem:s14], [sflag:$0x2] =	stream.indirect.gather [hbm4b:s4+s11], $0x40, s0, s11, $0xb8;
	[tilespmem:$0x9700] =	vst v63  }
0x154: {  	s0 =	smul.u32 $0x1A0, s9  }
0x155: {  	_ =	swait.ge [sflag:s25], $0x1900  }
0x156: {  	s29 =	sadd.s32 $0x1, s29;
	[sflag:s25] =	ssyncset.done $0x0;
	s0 =	sshrl.u32 s0, $0x2  }
0x157: {  	s31 =	smin.u32 s30, $0x38;
	[sflag:s25] =	ssyncadd.s32 $0xFFFFE700;
	s0 =	sadd.s32 $0x270, s0  }
0x158: {  	[tilespmem:s16], [sflag:$0x3] =	stream.indirect.gather [hbm4b:s4+s11], $0x40, s0, s11, $0xb8;
	[tilespmem:$0x9700] =	vst v63  }
0x159: {  	p0 =	sne.s32 s29, $0x10;
	s0 =	smul.u32 $0x1A0, s31  }
.Ltmp4:
0x15a: {  	_ = 	snop;
	(pc) =	sbr.rel @p0 .LBB2_2-.Ltmp4, $4  }
0x15b: {  	_ =	swait.ge [sflag:s26], $0x1900  }
0x15c: {  	[sflag:s26] =	ssyncset.done $0x0;
	s0 =	sshrl.u32 s0, $0x2  }
0x15d: {  	[sflag:s26] =	ssyncadd.s32 $0xFFFFE700;
	s0 =	sadd.s32 $0x2D8, s0  }
0x15e: {  	[tilespmem:s18], [sflag:$0x4] =	stream.indirect.gather [hbm4b:s4+s11], $0x40, s0, s11, $0xb8;
	[tilespmem:$0x9700] =	vst v63  }
0x15f: {  	_ =	swait.ge [sflag:s19], $0x1900  }
0x160: {  	[sflag:s19] =	ssyncset.done $0x0  }
0x161: {  	[sflag:s19] =	ssyncadd.s32 $0xFFFFE700  }
0x162: {  	_ =	swait.ge [sflag:s20], $0x1900  }
0x163: {  	[sflag:s20] =	ssyncset.done $0x0  }
0x164: {  	s28 =	sadd.s32 $0x1, s28;
	[sflag:s20] =	ssyncadd.s32 $0xFFFFE700  }
0x165: {  	p0 =	sne.s32 s28, s8;
	_ =	swait.ge [sflag:s21], $0x1900  }
.Ltmp5:
0x166: {  	[sflag:s21] =	ssyncset.done $0x0;
	(pc) =	sbr.rel @p0 .LBB2_1-.Ltmp5, $4  }
0x167: {  	[sflag:s21] =	ssyncadd.s32 $0xFFFFE700  }
0x168: {  	_ =	swait.ge [sflag:s22], $0x1900  }
0x169: {  	[sflag:s22] =	ssyncset.done $0x0  }
0x16a: {  	[sflag:s22] =	ssyncadd.s32 $0xFFFFE700  }
0x16b: {  	_ =	sfence.sel $0x180000  }
0x16c: {  	[bflag:$0x0] =	sbarrier.arrive $0xFFFF  }
0x16d: {  	_ =	strace $0x90000047  }
0x16e: {  	s0 =	stileid.u32;
	[bflag:$0x2] =	sbarrier.arrive $0xFFFF  }
0x16f: {  	p0 =	sne.s32 s0, $0x0;
	s0 =	rddreg [dreg:$0x2]  }
0x170: {  	s0 =	sadd.s32 @!p0 $0x100000, s0  }
0x171: {  	[sflag:s0] =	ssyncadd.tile.s32 @!p0 $0x1;
	_ =	shalt  }
.Lfunc_end2:
_tile_overlayer_lowered:
.L_overlay_start_2:
0x172: {  	(tag) =	ssettag $0x2  }
0x173: {  	s0 =	rddreg [dreg:$0x0];
	s2 =	stileid.u32  }
0x174: {  	s1 =	rddreg [dreg:$0x1];
	p0 =	sne.s32 s2, $0x0  }
0x175: {  	s3 =	rddreg [dreg:$0x2];
	[bflag:$0x3] =	sbarrier.arrive $0xFFFF;
	s2 =	simm.s32 @!p0 $0x1C09  }
0x176: {  	[timem:s3], [sflag:s2] =	dma.local @!p0 [hbm:s0], s1  }
0x177: {  	s0 =	simm.s32 @!p0 $0x9  }
0x178: {  	_ =	swait.ge @!p0 [sflag:s0], s1  }
0x179: {  	s1 =	ssub.s32 @!p0 $0x0, s1;
	[sflag:s0] =	ssyncset.done @!p0 $0x0  }
0x17a: {  	[sflag:s0] =	ssyncadd.s32 @!p0 s1  }
0x17b: {  	[bflag:$0x3] =	sbarrier.arrive $0xFFFF  }
0x17c: {  	_ =	shalt  }

// kernel: sparse-core-data-format-call.cloned.1.call-start
scs
called_computation_lowered:
.L_overlay_start_0:
0x0: {  	s2 =	sld [smem:$0x3FD9]  }
0x1: {  	s3 =	sld [smem:$0x3FFE];
	_ =	sdelay $0x1  }
0x2: {  	s1 =	srdreg.scid  }
0x3: {  	s0 =	sand.u32 $0x1, s1  }
0x4: {  	s18 =	sshll.u32 s0, $0xA;
	s2 =	sadd.s32 s3, s2  }
0x5: {  	s2 =	sadd.s32 s2, s18  }
0x6: {  	[smem:$0x3FC6] =	sst s2  }
0x7: {  	_ = 	snop  }
0x8: {  	s2 =	sld [smem:$0x3FD0];
	(tm) =	ssettm $0x1  }
0x9: {  	s19 =	sld [smem:$0x3FFB];
	_ =	sdelay $0x3  }
0xa: {  	_ =	strace s19  }
0xb: {  	s3 =	sld [smem:$0x3FFC];
	_ =	sdelay $0x3  }
0xc: {  	_ =	strace s3  }
0xd: {  	s3 =	sld [smem:$0x3FFD];
	_ =	sdelay $0x3  }
0xe: {  	_ =	strace s3  }
0xf: {  	_ =	strace $0x8FFFFFFF  }
0x10: {  	s20 =	sld [smem:$0x3FDB];
	_ =	sdelay $0x1  }
0x11: {  	s4 =	simm.s32 $_scs_section_size  }
0x12: {  	s5 =	simm.s32 $_size__tile_overlayer_lowered;
	s6 =	simm.s32 $_tile_overlayer_lowered  }
0x13: {  	s23 =	simm.s32 $0x1BFF;
	s22 =	sshll.u32 s6, $0x1;
	s3 =	sadd.s32 s4, s20  }
0x14: {  	s7 =	simm.s32 $0x0;
	s21 =	sshll.u32 s5, $0x1;
	s5 =	sadd.s32 s22, s3  }
0x15: {  	[timem:s7], [sflag:s23] =	dma.local [hbm:s5], s21  }
0x16: {  	_ =	swait.ge [sflag:s23], s21  }
0x17: {  	s4 =	ssub.s32 $0x0, s21;
	[sflag:s23] =	ssyncset.done $0x0  }
0x18: {  	[sflag:s23] =	ssyncadd.s32 s4;
	_ =	sdelay $0x1  }
0x19: {  	s24 =	simm.s32 $0x1B8B  }
0x1a: {  	_ =	swait.ge [sflag:s24], $0x1  }
0x1b: {  	[sflag:s24] =	ssyncset.done $0x0  }
0x1c: {  	s26 =	simm.s32 $0x1B8E;
	s25 =	sld [smem:$0x3FFE];
	[sflag:s24] =	ssyncadd.s32 $0xFFFFFFFF  }
0x1d: {  	s27 =	simm.s32 $execute0_lowered;
	[smem:$0x3FD2] =	sst s26  }
0x1e: {  	s5 =	sshll.u32 s27, $0x1;
	_ =	strace $0x80000049;
	[dreg:$0x1] =	wrdreg $0xFFFFFFFF  }
0x1f: {  	s28 =	simm.s32 $_size_execute0_lowered;
	s3 =	sadd.s32 s3, s5;
	[dreg:$0x0] =	wrdreg $0x0  }
0x20: {  	s5 =	sshll.u32 s28, $0x1;
	[dreg:$0x2] =	wrdreg s3  }
0x21: {  	[dreg:$0x3] =	wrdreg s5  }
0x22: {  	[dreg:$0x4] =	wrdreg $0xC0  }
0x23: {  	_ =	task [dreg:s7], $0x5FFFF  }
0x24: {  	[dreg:$0x1] =	wrdreg $0xFFFFFFFF  }
0x25: {  	[dreg:$0x0] =	wrdreg $0x60  }
0x26: {  	[dreg:$0x2] =	wrdreg s25  }
0x27: {  	[dreg:$0x3] =	wrdreg s2  }
0x28: {  	[dreg:$0x4] =	wrdreg $0x9  }
0x29: {  	_ =	task.clear_ibuf [dreg:s7], $0x5FFFF;
	_ =	strace $0x90000049  }
0x2a: {  	s29 =	simm.s32 $0x9;
	_ =	strace $0x8000004B  }
0x2b: {  	_ =	swait.ge [sflag:s29], $0x1  }
0x2c: {  	[sflag:s29] =	ssyncadd.s32 $0xFFFFFFFF  }
0x2d: {  	_ =	strace $0x9000004B  }
0x2e: {  	_ =	sfence  }
0x2f: {  	s30 =	sld [smem:$0x0];
	_ =	sdelay $0x2  }
0x30: {  	s31 =	sshll.u32 s1, $0xD;
	s1 =	sshrl.u32 s1, $0x2  }
0x31: {  	s3 =	sand.u32 $0x4000, s31;
	s1 =	sadd.s32 s1, s30  }
0x32: {  	s0 =	sor.u32 s3, s0;
	s1 =	sshll.u32 s1, $0x11  }
0x33: {  	s0 =	sor.u32 s1, s0  }
0x34: {  	s0 =	sadd.s32 $0x8F2B, s0  }
0x35: {  	[sflag:s0] =	ssyncadd.remote.s32 $0x1  }
0x36: {  	_ =	sfence.sel $0xFFFF  }
0x37: {  	[dreg:$0x0] =	wrdreg $0xFFFFFFFF;
	(pc) =	sbr.abs _section_cstart, $3  }
0x38: {  	[dreg:$0x1] =	wrdreg $0xFFFFFFFF  }
0x39: {  	_ =	task.clear_ibuf [dreg:s7], $0x2FFFF;
	_ =	strace $0x9FFFFFFF  }
0x3a: {  	(tm) =	ssettm $0x7FFFFFFF  }
0x3b: {  	_ =	shalt  }
tec
execute0_lowered:
.L_overlay_start_1:
0x0: {  	(tag) =	ssettag $0x1  }
0x1: {  	s0 =	srdreg.scid  }
0x2: {  	s1 =	sshll.u32 s0, $0x4  }
0x3: {  	s0 =	stileid.u32;
	s1 =	sand.u32 $0x10, s1  }
0x4: {  	s1 =	sor.u32 s0, s1  }
0x5: {  	s6 =	rddreg [dreg:$0x0];
	s4 =	simm.s32 $0x1;
	s2 =	sshll.u32 s1, $0x7  }
0x6: {  	s7 =	simm.s32 $0x2;
	s12 =	simm.s32 $0x0;
	s1 =	ssub.s32 $0x1000, s2  }
0x7: {  	s8 =	simm.s32 $0x8000;
	s13 =	simm.s32 $0x0;
	s3 =	sand.u32 $0xF80, s1  }
0x8: {  	s9 =	simm.s32 $0x0;
	s5 =	sshrl.u32 s1, $0xC;
	p0 =	sne.s32 s3, $0x0  }
.Ltmp0:
0x9: {  	s1 =	rddreg [dreg:$0x2];
	s4 =	simm.s32 @!p0 $0x0;
	(pc) =	sbr.rel .LBB1_1-.Ltmp0, $4  }
0xa: {  	s11 =	simm.s32 $0x0;
	s3 =	rddreg [dreg:$0x1];
	s5 =	sadd.s32 s4, s5  }
0xb: {  	_ =	strace $0x8000004A;
	s4 =	simm.s32 $0x1;
	s5 =	smul.u32 $0x32, s5  }
0xc: {  	s6 =	sadd.s32 $0x1000, s6;
	s10 =	smov.u32 s2;
	[sflag:s4] =	ssyncpa.u1 $0x0  }
0xd: {  	p0 =	por $0x0, $0x0;
	[sflag:s7] =	ssyncpa.u1 $0x0;
	s7 =	sor.u32 $0x1, s5  }
.LBB1_4:
0xe: {  	s16 =	sshll.u32 s13, $0x3;
	s17 =	sand.u32 $0x78, s13  }
0xf: {  	s30 =	sand.u32 $0x7E00, s13;
	s12 =	sshll.u32 s12, $0xF;
	s16 =	sand.u32 $0xC00, s16  }
0x10: {  	[tilespmem:s15+$0x810 ss:$0x81] =	vst.msk $0xffff, v2;
	s31 =	sand.u32 $0x7, s13;
	s16 =	sor.u32 s17, s16;
	s17 =	sadd.s32 s3, s30  }
0x11: {  	[tilespmem:s15+$0x1020 ss:$0x81] =	vst.msk $0xffff, v0;
	s13 =	sshll.u32 s31, $0x12;
	s12 =	sadd.s32 s12, s17;
	s16 =	sshrl.u32 s16, $0x3  }
0x12: {  	[tilespmem:s15+$0x0 ss:$0x81] =	vst.msk $0xffff, v1;
	s13 =	sor.u32 $0x400, s13;
	s12 =	sadd.s32 s16, s12  }
0x13: {  	[hbm4b:s12+s13] =	stream.strided.scatter [tilespmem:s14], [sflag:$0x2], $0x2000, s8, s13, $0x20;
	[tilespmem:$0x8080] =	vst v63  }
.LBB1_5:
0x14: {  	s14 =	sadd.s32 $0x1, s9  }
0x15: {  	s12 =	sadd.s32 $0x1000, s10;
	s16 =	smov.u32 s10;
	p2 =	sgt.s32 s14, $0x31  }
0x16: {  	s16 =	smov.u32 @p2 s12  }
0x17: {  	s14 =	simm.s32 @p2 $0x0;
	p2 =	sgt.s32 s16, $0xFFF  }
0x18: {  	s16 =	smov.u32 @p2 s2;
	p2 =	sne.s32 s11, s7  }
.Ltmp1:
0x19: {  	p1 =	slt.u32 s11, $0x2;
	(pc) =	sbr.rel @!p2 .LBB1_6-.Ltmp1, $4  }
0x1a: {  	s15 =	simm.s32 @!p1 $0x2  }
0x1b: {  	s13 =	smov.u32 s10;
	p0 =	por !p0, !p0;
	_ =	swait.ge @!p1 [sflag:s15], $0x2000  }
0x1c: {  	s12 =	smov.u32 s9;
	[sflag:s15] =	ssyncset.done @!p1 $0x0;
	s9 =	smov.u32 s14  }
0x1d: {  	s11 =	sadd.s32 $0x1, s11;
	[sflag:s15] =	ssyncadd.s32 @!p1 $0xFFFFE000;
	s10 =	smov.u32 s16  }
.LBB1_1:
0x1e: {  	p1 =	sge.u32 s11, s5  }
0x1f: {  	s14 =	sand.u32 @!p1 $0x1FFFFFF, s9  }
0x20: {  	s15 =	smulhi.u32 @!p1 $0x4924925, s14;
	_ =	sdelay $0x1  }
0x21: {  	s15 =	smul.u32 @!p1 $0x38, s15  }
0x22: {  	s16 =	sxor.u32 @!p1 $0xFFFFFFFF, s11;
	s17 =	smul.u32 @!p1 $0x380, s10  }
0x23: {  	s31 =	sadd.s32 $0xFFFFFFFF, s11;
	s16 =	sshll.u32 @!p1 s16, $0xD;
	s14 =	ssub.s32 @!p1 s14, s15  }
0x24: {  	s15 =	sand.u32 @!p1 $0x2000, s16;
	s16 =	sadd.s32 @!p1 s6, s17;
	s14 =	sshll.u32 @!p1 s14, $0x4  }
0x25: {  	s17 =	simm.s32 @!p1 $0x1C00;
	s14 =	sadd.s32 @!p1 s14, s16;
	s16 =	simm.s32 @!p1 $0x40  }
0x26: {  	[tilespmem:s15], [sflag:$0x1] =	stream.strided.gather @!p1 [hbm4b:s14+s16], $0x2000, s17, s16, $0x38;
	[tilespmem:$0x8080] =	vst v63  }
0x27: {  	p1 =	sge.u32 s31, s5  }
.Ltmp2:
0x28: {  	_ = 	snop;
	(pc) =	sbr.rel @p1 .LBB1_5-.Ltmp2, $1  }
0x29: {  	_ =	sdelay $0x3  }
0x2a: {  	s14 =	simm.s32 $0x1  }
0x2b: {  	_ =	swait.ge [sflag:s4], $0x2000;
	s14 =	simm.s32 @!p0 $0x0  }
0x2c: {  	[sflag:s4] =	ssyncset.done $0x0;
	s15 =	sshll.u32 s14, $0xD  }
0x2d: {  	[sflag:s4] =	ssyncadd.s32 $0xFFFFE000;
	s18 =	sor.u32 $0x20, s15  }
0x2e: {  	s14 =	smul.u32 $0x8100, s14;
	v3 =	vld [tilespmem:s18+$0x10]  }
0x2f: {  	s30 =	sand.u32 $0x1, s11;
	v2 =	vld [tilespmem:s18+$0xFFFFFFF0]  }
0x30: {  	s15 =	smul.u32 $0x8100, s30;
	s14 =	sshrl.u32 s14, $0x2;
	v0 =	vld [tilespmem:s18+$0x0]  }
0x31: {  	v1 =	vld [tilespmem:s18+$0xFFFFFFE0];
	s16 =	sor.u32 $0x4000, s14  }
0x32: {  	s31 =	sshrl.u32 s15, $0x2;
	s15 =	sadd.s32 $0x0, s16  }
0x33: {  	s17 =	simm.s32 $0x4;
	s18 =	sadd.s32 $0x40, s18;
	s14 =	sor.u32 $0x4000, s31;
	[tilespmem:s15+$0x1830 ss:$0x81] =	vst.msk $0xffff, v3  }
.LBB1_3:
0x34: {  	v3 =	vld [tilespmem:s18+$0x10];
	p1 =	sne.s32 s17, $0x1FC;
	[tilespmem:s15+$0x810 ss:$0x81] =	vst.msk $0xffff, v2;
	s19 =	smov.u32 s17;
	s17 =	sadd.s32 $0x4, s17  }
.Ltmp3:
0x35: {  	v2 =	vld [tilespmem:s18+$0xFFFFFFF0];
	[tilespmem:s15+$0x1020 ss:$0x81] =	vst.msk $0xffff, v0;
	(pc) =	sbr.rel @p1 .LBB1_3-.Ltmp3, $4  }
0x36: {  	v0 =	vld [tilespmem:s18+$0x0];
	[tilespmem:s15+$0x0 ss:$0x81] =	vst.msk $0xffff, v1  }
0x37: {  	s15 =	sshra.s32 s19, $0x2;
	v1 =	vld [tilespmem:s18+$0xFFFFFFE0]  }
0x38: {  	s15 =	sadd.s32 s15, s16  }
0x39: {  	s18 =	sadd.s32 $0x40, s18;
	[tilespmem:s15+$0x1830 ss:$0x81] =	vst.msk $0xffff, v3  }
.Ltmp4:
0x3a: {  	_ = 	snop;
	(pc) =	sbr.rel .LBB1_4-.Ltmp4, $1  }
0x3b: {  	_ =	sdelay $0x3  }
.LBB1_6:
0x3c: {  	_ =	sfence.sel $0x180000  }
0x3d: {  	s2 =	simm.s32 $0x1;
	[bflag:$0x0] =	sbarrier.arrive $0xFFFF  }
0x3e: {  	s31 =	simm.s32 $0x2;
	[sflag:s2] =	ssyncpa.u1 $0x1  }
0x3f: {  	[sflag:s31] =	ssyncpa.u1 $0x1  }
0x40: {  	p0 =	sne.s32 s0, $0x0;
	_ =	strace $0x9000004A  }
0x41: {  	s0 =	sadd.s32 @!p0 $0x100000, s1;
	[bflag:$0x2] =	sbarrier.arrive $0xFFFF  }
0x42: {  	[sflag:s0] =	ssyncadd.tile.s32 @!p0 $0x1;
	_ =	shalt  }
.Lfunc_end1:
_tile_overlayer_lowered:
.L_overlay_start_2:
0x43: {  	(tag) =	ssettag $0x2  }
0x44: {  	s0 =	rddreg [dreg:$0x0];
	s2 =	stileid.u32  }
0x45: {  	s1 =	rddreg [dreg:$0x1];
	p0 =	sne.s32 s2, $0x0  }
0x46: {  	s3 =	rddreg [dreg:$0x2];
	[bflag:$0x3] =	sbarrier.arrive $0xFFFF;
	s2 =	simm.s32 @!p0 $0x1C01  }
0x47: {  	[timem:s3], [sflag:s2] =	dma.local @!p0 [hbm:s0], s1  }
0x48: {  	s0 =	simm.s32 @!p0 $0x1  }
0x49: {  	_ =	swait.ge @!p0 [sflag:s0], s1  }
0x4a: {  	s1 =	ssub.s32 @!p0 $0x0, s1;
	[sflag:s0] =	ssyncset.done @!p0 $0x0  }
0x4b: {  	[sflag:s0] =	ssyncadd.s32 @!p0 s1  }
0x4c: {  	[bflag:$0x3] =	sbarrier.arrive $0xFFFF  }
0x4d: {  	_ =	shalt  }

</sc_bundles>
